<compile_context>
chip_gen: v7x
topology: tpu7x:2x2x1
jax: 0.10.2.dev20260603
libtpu: 0.0.44.dev20260713+nightly
codegen_flags: <defaults>
</compile_context>

<pallas_src>
import functools

import jax
import jax.numpy as jnp
from jax import lax
from jax.experimental import pallas as pl
from jax.experimental.pallas import tpu as pltpu
from jax.experimental.pallas import tpu_sc as plsc

NC, NS = 2, 16
NW = NC * NS
CH = 128
GCH = 64
RB = 2048
NB = 2000


def _mesh():
    return plsc.VectorSubcoreMesh(core_axis_name="c", subcore_axis_name="s")


def _sc_gather_and_degree(embflat, gidx, dst_p, zfull, ones_rows, NPAD, D):
    EP = dst_p.shape[0]
    EPW = EP // NW
    NCHUNK = EPW // CH
    RPW = NPAD // NW
    TPT = NPAD // NS

    @functools.partial(
        pl.kernel,
        mesh=_mesh(),
        out_type=(
            jax.ShapeDtypeStruct((NPAD, D), jnp.float32),
            jax.ShapeDtypeStruct((NC, NPAD, D), jnp.float32),
        ),
        scratch_types=[
            pltpu.VMEM((GCH,), jnp.int32),
            pltpu.VMEM((GCH, D), jnp.float32),
            pltpu.VMEM((CH,), jnp.int32),
            pltpu.VMEM((CH, D), jnp.float32),
            pltpu.VMEM_SHARED((NPAD, D), jnp.float32),
        ],
    )
    def k(emb_h, gidx_h, dst_h, z_h, ones_h, eot_h, degp_h,
          idx_v, rows_v, didx_v, ones_v, deg_sh):
        c = lax.axis_index("c")
        s = lax.axis_index("s")
        w = c * NS + s
        pltpu.sync_copy(z_h.at[pl.ds(s * TPT, TPT)],
                        deg_sh.at[pl.ds(s * TPT, TPT)])
        pltpu.sync_copy(ones_h, ones_v)
        plsc.subcore_barrier()

        @pl.loop(0, RPW // GCH)
        def _(j):
            off = w * RPW + j * GCH
            pltpu.sync_copy(gidx_h.at[pl.ds(off, GCH)], idx_v)
            pltpu.sync_copy(emb_h.at[idx_v], rows_v)
            pltpu.sync_copy(rows_v, eot_h.at[pl.ds(off, GCH)])

        @pl.loop(0, NCHUNK)
        def _(j):
            off = w * EPW + j * CH
            pltpu.sync_copy(dst_h.at[pl.ds(off, CH)], didx_v)
            pltpu.sync_copy(ones_v, deg_sh.at[didx_v], add=True)

        plsc.subcore_barrier()
        pltpu.sync_copy(deg_sh.at[pl.ds(s * TPT, TPT)],
                        degp_h.at[c].at[pl.ds(s * TPT, TPT)])

    return k(embflat, gidx, dst_p, zfull, ones_rows)


def _sc_edge_spmm(hs, src_p, dst_p, z128, NPAD, D):
    EP = dst_p.shape[0]
    EPW = EP // NW
    NCHUNK = EPW // CH
    TPT = NPAD // NS

    @functools.partial(
        pl.kernel,
        mesh=_mesh(),
        out_type=jax.ShapeDtypeStruct((NC, NPAD, D), jnp.float32),
        scratch_types=[
            pltpu.VMEM((CH,), jnp.int32),
            pltpu.VMEM((CH,), jnp.int32),
            pltpu.VMEM((CH, D), jnp.float32),
            pltpu.VMEM_SHARED((NPAD, D), jnp.float32),
        ],
    )
    def k(hs_h, src_h, dst_h, z_h, aggp_h, sidx_v, didx_v, rows_v, agg_sh):
        c = lax.axis_index("c")
        s = lax.axis_index("s")
        w = c * NS + s
        pltpu.sync_copy(z_h.at[pl.ds(s * TPT, TPT)],
                        agg_sh.at[pl.ds(s * TPT, TPT)])
        plsc.subcore_barrier()

        @pl.loop(0, NCHUNK)
        def _(j):
            off = w * EPW + j * CH
            pltpu.sync_copy(src_h.at[pl.ds(off, CH)], sidx_v)
            pltpu.sync_copy(dst_h.at[pl.ds(off, CH)], didx_v)
            pltpu.sync_copy(hs_h.at[sidx_v], rows_v)
            pltpu.sync_copy(rows_v, agg_sh.at[didx_v], add=True)

        plsc.subcore_barrier()
        pltpu.sync_copy(agg_sh.at[pl.ds(s * TPT, TPT)],
                        aggp_h.at[c].at[pl.ds(s * TPT, TPT)])

    return k(hs, src_p, dst_p, z128)


def _tc_prescale(degp, eot):
    NPAD, D = eot.shape
    NI = NPAD // RB

    def body(degp_ref, eot_ref, hs_ref):
        deg = degp_ref[0, :, 0:1] + degp_ref[1, :, 0:1] + 1.0
        hs_ref[...] = eot_ref[...] * lax.rsqrt(deg)

    return pl.pallas_call(
        body,
        grid=(NI,),
        in_specs=[
            pl.BlockSpec((NC, RB, D), lambda i: (0, i, 0)),
            pl.BlockSpec((RB, D), lambda i: (i, 0)),
        ],
        out_specs=pl.BlockSpec((RB, D), lambda i: (i, 0)),
        out_shape=jax.ShapeDtypeStruct((NPAD, D), jnp.float32),
    )(degp, eot)


def _tc_layer(degp, h, aggp, W, b, relu, rescale):
    NPAD, D = h.shape
    NI = NPAD // RB
    b2d = b.reshape(1, D)
    n_out = 2 if rescale else 1

    def body(degp_ref, h_ref, aggp_ref, w_ref, b_ref, *outs):
        deg = degp_ref[0, :, 0:1] + degp_ref[1, :, 0:1] + 1.0
        rs = lax.rsqrt(deg)
        pre = (aggp_ref[0] + aggp_ref[1]) * rs + h_ref[...] * (1.0 / deg)
        out = jnp.dot(pre, w_ref[...],
                      preferred_element_type=jnp.float32) + b_ref[...]
        if relu:
            out = jnp.maximum(out, 0.0)
        outs[0][...] = out
        if rescale:
            outs[1][...] = out * rs

    res = pl.pallas_call(
        body,
        grid=(NI,),
        in_specs=[
            pl.BlockSpec((NC, RB, D), lambda i: (0, i, 0)),
            pl.BlockSpec((RB, D), lambda i: (i, 0)),
            pl.BlockSpec((NC, RB, D), lambda i: (0, i, 0)),
            pl.BlockSpec((D, D), lambda i: (0, 0)),
            pl.BlockSpec((1, D), lambda i: (0, 0)),
        ],
        out_specs=tuple(pl.BlockSpec((RB, D), lambda i: (i, 0))
                        for _ in range(n_out)),
        out_shape=tuple(jax.ShapeDtypeStruct((NPAD, D), jnp.float32)
                        for _ in range(n_out)),
    )(degp, h, aggp, W, b2d)
    return res if rescale else (res[0], None)


def _tc_assemble(embeddings, eidx_col, gcn):
    S, N, D = embeddings.shape
    NJ = N // NB
    embflat = embeddings.reshape(S * N, D)

    def body(eidx_ref, gcn_ref, emb_ref, out_ref):
        s = pl.program_id(1)
        m = (eidx_ref[...] == s).astype(jnp.float32)
        out_ref[...] = emb_ref[...] + gcn_ref[...] * m

    out = pl.pallas_call(
        body,
        grid=(NJ, S),
        in_specs=[
            pl.BlockSpec((NB, 1), lambda j, s: (j, 0)),
            pl.BlockSpec((NB, D), lambda j, s: (j, 0)),
            pl.BlockSpec((NB, D), lambda j, s: (s * NJ + j, 0)),
        ],
        out_specs=pl.BlockSpec((NB, D), lambda j, s: (s * NJ + j, 0)),
        out_shape=jax.ShapeDtypeStruct((S * N, D), jnp.float32),
    )(eidx_col, gcn, embflat)
    return out.reshape(S, N, D)


def kernel(embeddings, eot_idx, edge_index, W1, b1, W2, b2):
    S, N, D = embeddings.shape
    E = edge_index.shape[1]

    NPAD = ((N + 8 * NW - 1) // (8 * NW)) * (8 * NW)
    while NPAD % NS or (NPAD // NW) % GCH or NPAD % RB:
        NPAD += 8 * NW
    EP = ((E + NW * CH - 1) // (NW * CH)) * (NW * CH)

    eot_idx = eot_idx.astype(jnp.int32)
    ar = jnp.arange(N, dtype=jnp.int32)
    gidx = jnp.concatenate(
        [eot_idx * N + ar, jnp.zeros((NPAD - N,), jnp.int32)])
    pad_e = jnp.full((EP - E,), N, jnp.int32)
    src_p = jnp.concatenate([edge_index[0].astype(jnp.int32), pad_e])
    dst_p = jnp.concatenate([edge_index[1].astype(jnp.int32), pad_e])

    z128 = jnp.zeros((NPAD, D), jnp.float32)
    ones_rows = jnp.ones((CH, D), jnp.float32)

    embflat = embeddings.reshape(S * N, D)
    eot, degp = _sc_gather_and_degree(embflat, gidx, dst_p, z128, ones_rows,
                                      NPAD, D)

    hs0 = _tc_prescale(degp, eot)
    aggp1 = _sc_edge_spmm(hs0, src_p, dst_p, z128, NPAD, D)
    h1, h1s = _tc_layer(degp, eot, aggp1, W1, b1, relu=True, rescale=True)
    aggp2 = _sc_edge_spmm(h1s, src_p, dst_p, z128, NPAD, D)
    out2, _ = _tc_layer(degp, h1, aggp2, W2, b2, relu=False, rescale=False)

    return _tc_assemble(embeddings, eot_idx.reshape(N, 1), out2[:N])

# --- scband reference (transcript-rebuilt; emitter-appended) ---
"""Pipeline reference for scband-ladapter-7516192768195 (READ-ONLY COPY).

The authoritative reference and input builder live on the scoring server;
editing this copy changes nothing except your own understanding.
"""

import jax, jax.numpy as jnp
import numpy as np

S, N, D, E = 32, 10000, 128, 320000


def setup_inputs(seed: int = 0) -> dict:
    key = jax.random.key(seed)
    ks = jax.random.split(key, 8)
    embeddings = jax.random.normal(ks[0], (S, N, D), dtype=jnp.float32)
    eot_idx = jax.random.randint(ks[1], (N,), 0, S, dtype=jnp.int64) if jax.config.jax_enable_x64 else jax.random.randint(ks[1], (N,), 0, S).astype(jnp.int32)
    edge_index = jax.random.randint(ks[2], (2, E), 0, N).astype(jnp.int32)
    W1 = jax.random.normal(ks[3], (D, D), dtype=jnp.float32) * 0.05
    b1 = jnp.zeros((D,), dtype=jnp.float32)
    W2 = jax.random.normal(ks[4], (D, D), dtype=jnp.float32) * 0.05
    b2 = jnp.zeros((D,), dtype=jnp.float32)
    return {"embeddings": embeddings, "eot_idx": eot_idx, "edge_index": edge_index,
            "W1": W1, "b1": b1, "W2": W2, "b2": b2}


def _gcn(x, edge_index, W1, b1, W2, b2):
    # 2-layer GCN with symmetric-normalized sparse adjacency (self-loops included),
    # faithful to GCN(adj, embed_dim, embed_dim, hidden_layers) over the pair graph.
    src = edge_index[0]
    dst = edge_index[1]
    n = x.shape[0]
    deg = jnp.zeros((n,), dtype=jnp.float32).at[dst].add(1.0) + 1.0  # +1 for self-loop
    w = 1.0 / jnp.sqrt(deg[src] * deg[dst])

    def spmm(h):
        msg = h[src] * w[:, None]
        agg = jax.ops.segment_sum(msg, dst, num_segments=n)
        return agg + h / deg[:, None]  # normalized self-loop contribution

    h = jax.nn.relu(spmm(x) @ W1 + b1)
    h = spmm(h) @ W2 + b2
    return h


def reference(embeddings, eot_idx, edge_index, W1, b1, W2, b2):
    ar = jnp.arange(embeddings.shape[1])
    # eot_embeddings = embeddings[eot_idx, arange(batch)]  (gather one token per node)
    eot = embeddings[eot_idx, ar]
    out = _gcn(eot, edge_index, W1, b1, W2, b2)
    # embeddings[eot_idx, arange] += gcn(eot)  (scatter-add back)
    embeddings = embeddings.at[eot_idx, ar].add(out)
    return embeddings

if __name__ == "__main__":
    import jax
    _d = setup_inputs()
    print(jax.jit(kernel)(*tuple(_d.values())))

</pallas_src>

<mosaic_0001>
#map = affine_map<(d0, d1) -> (0, 0)>
#map1 = affine_map<(d0, d1) -> (0)>
#map2 = affine_map<(d0, d1) -> (0, 0, 0)>
module attributes {stable_mosaic.version = 14 : i64} {
  func.func @k(%arg0: i32, %arg1: i32, %arg2: memref<10240x128xf32, #tpu.memory_space<hbm>>, %arg3: memref<323584xi32, #tpu.memory_space<hbm>>, %arg4: memref<323584xi32, #tpu.memory_space<hbm>>, %arg5: memref<10240x128xf32, #tpu.memory_space<hbm>>, %arg6: memref<2x10240x128xf32, #tpu.memory_space<hbm>>, %arg7: memref<128xi32, #tpu.memory_space<vmem>>, %arg8: memref<128xi32, #tpu.memory_space<vmem>>, %arg9: memref<128x128xf32, #tpu.memory_space<vmem>>, %arg10: memref<10240x128xf32, #tpu.memory_space<vmem_shared>>) attributes {dimension_semantics = [#tpu.dimension_semantics<core_parallel>, #tpu.dimension_semantics<subcore_parallel>], iteration_bounds = array<i64: 2, 16>, scalar_prefetch = 0 : i64, scratch_operands = 4 : i64, tpu.core_type = #tpu.core_type<sc_vector_subcore>, window_params = [{transform_indices = #map}, {transform_indices = #map1}, {transform_indices = #map1}, {transform_indices = #map}, {transform_indices = #map2}]} {
    %mul3A = arith.constant 16 : i32
    %mul3A_0 = arith.muli %arg0, %mul3A : i32
    %add3A = arith.addi %mul3A_0, %arg1 : i32
    %mul3A_1 = arith.constant 640 : i32
    %mul3A_2 = arith.muli %arg1, %mul3A_1 : i32
    %mul3A_3 = arith.constant 640 : i32
    %mul3A_4 = arith.muli %arg1, %mul3A_3 : i32
    "tpu.region"() ({
      %run_scoped3A = tpu.sem_alloc : memref<!tpu.dma_semaphore, #tpu.memory_space<semaphore_mem>>
      %dma_start3A = arith.constant 0 : i32
      %dma_start3A_14 = tpu.memref_slice %arg10[%mul3A_4, %dma_start3A] : memref<10240x128xf32, #tpu.memory_space<vmem_shared>> -> memref<640x128xf32, #tpu.memory_space<vmem_shared>>
      %dma_start3A_15 = arith.constant 0 : i32
      %dma_start3A_16 = tpu.memref_slice %arg5[%mul3A_2, %dma_start3A_15] : memref<10240x128xf32, #tpu.memory_space<hbm>> -> memref<640x128xf32, #tpu.memory_space<hbm>>
      tpu.enqueue_dma source(%dma_start3A_16 : memref<640x128xf32, #tpu.memory_space<hbm>>) target(%dma_start3A_14 : memref<640x128xf32, #tpu.memory_space<vmem_shared>>) target_semaphore(%run_scoped3A : memref<!tpu.dma_semaphore, #tpu.memory_space<semaphore_mem>>)
      %dma_wait3A = arith.constant 0 : i32
      %dma_wait3A_17 = tpu.memref_slice %arg10[%mul3A_4, %dma_wait3A] : memref<10240x128xf32, #tpu.memory_space<vmem_shared>> -> memref<640x128xf32, #tpu.memory_space<vmem_shared>>
      %dma_wait3A_18 = arith.constant 0 : i32
      %dma_wait3A_19 = tpu.memref_slice %arg5[%mul3A_2, %dma_wait3A_18] : memref<10240x128xf32, #tpu.memory_space<hbm>> -> memref<640x128xf32, #tpu.memory_space<hbm>>
      tpu.wait_dma2 semaphore(%run_scoped3A : memref<!tpu.dma_semaphore, #tpu.memory_space<semaphore_mem>>) src(%dma_wait3A_19 : memref<640x128xf32, #tpu.memory_space<hbm>>) dst(%dma_wait3A_17 : memref<640x128xf32, #tpu.memory_space<vmem_shared>>)
      tpu.yield
    }) : () -> ()
    %barrier3A = arith.constant 0 : index
    tpu.barrier barrier_id(%barrier3A)
    %scan3A = arith.constant 0 : i32
    %scan3A_5 = arith.constant 79 : i32
    %scan3A_6 = arith.addi %scan3A, %scan3A_5 : i32
    %scan3A_7 = arith.constant 1 : i32
    scf.for %scan3A_14 = %scan3A to %scan3A_6 step %scan3A_7  : i32 {
      %mul3A_15 = arith.constant 1 : i32
      %mul3A_16 = arith.muli %scan3A_14, %mul3A_15 : i32
      %add3A_17 = arith.constant 0 : i32
      %add3A_18 = arith.addi %add3A_17, %mul3A_16 : i32
      %mul3A_19 = arith.constant 10112 : i32
      %mul3A_20 = arith.muli %add3A, %mul3A_19 : i32
      %mul3A_21 = arith.constant 128 : i32
      %mul3A_22 = arith.muli %add3A_18, %mul3A_21 : i32
      %add3A_23 = arith.addi %mul3A_20, %mul3A_22 : i32
      "tpu.region"() ({
        %run_scoped3A = tpu.sem_alloc : memref<!tpu.dma_semaphore, #tpu.memory_space<semaphore_mem>>
        %dma_start3A = tpu.memref_slice %arg3[%add3A_23] : memref<323584xi32, #tpu.memory_space<hbm>> -> memref<128xi32, #tpu.memory_space<hbm>>
        %dma_start3A_24 = tpu.memref_slice %arg3[%add3A_23] : memref<323584xi32, #tpu.memory_space<hbm>> -> memref<128xi32, #tpu.memory_space<hbm>>
        tpu.enqueue_dma source(%dma_start3A_24 : memref<128xi32, #tpu.memory_space<hbm>>) target(%arg7 : memref<128xi32, #tpu.memory_space<vmem>>) target_semaphore(%run_scoped3A : memref<!tpu.dma_semaphore, #tpu.memory_space<semaphore_mem>>)
        %dma_wait3A = tpu.memref_slice %arg3[%add3A_23] : memref<323584xi32, #tpu.memory_space<hbm>> -> memref<128xi32, #tpu.memory_space<hbm>>
        %dma_wait3A_25 = tpu.memref_slice %arg3[%add3A_23] : memref<323584xi32, #tpu.memory_space<hbm>> -> memref<128xi32, #tpu.memory_space<hbm>>
        tpu.wait_dma2 semaphore(%run_scoped3A : memref<!tpu.dma_semaphore, #tpu.memory_space<semaphore_mem>>) src(%dma_wait3A_25 : memref<128xi32, #tpu.memory_space<hbm>>) dst(%arg7 : memref<128xi32, #tpu.memory_space<vmem>>)
        tpu.yield
      }) : () -> ()
      "tpu.region"() ({
        %run_scoped3A = tpu.sem_alloc : memref<!tpu.dma_semaphore, #tpu.memory_space<semaphore_mem>>
        %dma_start3A = tpu.memref_slice %arg4[%add3A_23] : memref<323584xi32, #tpu.memory_space<hbm>> -> memref<128xi32, #tpu.memory_space<hbm>>
        %dma_start3A_24 = tpu.memref_slice %arg4[%add3A_23] : memref<323584xi32, #tpu.memory_space<hbm>> -> memref<128xi32, #tpu.memory_space<hbm>>
        tpu.enqueue_dma source(%dma_start3A_24 : memref<128xi32, #tpu.memory_space<hbm>>) target(%arg8 : memref<128xi32, #tpu.memory_space<vmem>>) target_semaphore(%run_scoped3A : memref<!tpu.dma_semaphore, #tpu.memory_space<semaphore_mem>>)
        %dma_wait3A = tpu.memref_slice %arg4[%add3A_23] : memref<323584xi32, #tpu.memory_space<hbm>> -> memref<128xi32, #tpu.memory_space<hbm>>
        %dma_wait3A_25 = tpu.memref_slice %arg4[%add3A_23] : memref<323584xi32, #tpu.memory_space<hbm>> -> memref<128xi32, #tpu.memory_space<hbm>>
        tpu.wait_dma2 semaphore(%run_scoped3A : memref<!tpu.dma_semaphore, #tpu.memory_space<semaphore_mem>>) src(%dma_wait3A_25 : memref<128xi32, #tpu.memory_space<hbm>>) dst(%arg8 : memref<128xi32, #tpu.memory_space<vmem>>)
        tpu.yield
      }) : () -> ()
      "tpu.region"() ({
        %run_scoped3A = tpu.sem_alloc : memref<!tpu.dma_semaphore, #tpu.memory_space<semaphore_mem>>
        %dma_start3A = arith.constant 0 : i32
        %dma_start3A_24 = arith.constant 0 : i32
        %dma_start3A_25 = tpu.memref_slice %arg2[%dma_start3A, %dma_start3A_24] : memref<10240x128xf32, #tpu.memory_space<hbm>> -> memref<10240x128xf32, #tpu.memory_space<hbm>>
        tpu.enqueue_indirect_dma source(%dma_start3A_25 : memref<10240x128xf32, #tpu.memory_space<hbm>>) target(%arg9 : memref<128x128xf32, #tpu.memory_space<vmem>>) offsets(%arg7 : memref<128xi32, #tpu.memory_space<vmem>>) semaphore(%run_scoped3A : memref<!tpu.dma_semaphore, #tpu.memory_space<semaphore_mem>>)
        %dma_wait3A = arith.constant 0 : i32
        %dma_wait3A_26 = arith.constant 0 : i32
        %dma_wait3A_27 = tpu.memref_slice %arg2[%dma_wait3A, %dma_wait3A_26] : memref<10240x128xf32, #tpu.memory_space<hbm>> -> memref<10240x128xf32, #tpu.memory_space<hbm>>
        tpu.wait_indirect_dma semaphore(%run_scoped3A : memref<!tpu.dma_semaphore, #tpu.memory_space<semaphore_mem>>) src(%dma_wait3A_27 : memref<10240x128xf32, #tpu.memory_space<hbm>>) dst(%arg9 : memref<128x128xf32, #tpu.memory_space<vmem>>)
        tpu.yield
      }) : () -> ()
      "tpu.region"() ({
        %run_scoped3A = tpu.sem_alloc : memref<!tpu.dma_semaphore, #tpu.memory_space<semaphore_mem>>
        %dma_start3A = arith.constant 0 : i32
        %dma_start3A_24 = arith.constant 0 : i32
        %dma_start3A_25 = tpu.memref_slice %arg10[%dma_start3A, %dma_start3A_24] : memref<10240x128xf32, #tpu.memory_space<vmem_shared>> -> memref<10240x128xf32, #tpu.memory_space<vmem_shared>>
        tpu.enqueue_indirect_dma source(%arg9 : memref<128x128xf32, #tpu.memory_space<vmem>>) target(%dma_start3A_25 : memref<10240x128xf32, #tpu.memory_space<vmem_shared>>) offsets(%arg8 : memref<128xi32, #tpu.memory_space<vmem>>) semaphore(%run_scoped3A : memref<!tpu.dma_semaphore, #tpu.memory_space<semaphore_mem>>) {add = true}
        %dma_wait3A = arith.constant 0 : i32
        %dma_wait3A_26 = arith.constant 0 : i32
        %dma_wait3A_27 = tpu.memref_slice %arg10[%dma_wait3A, %dma_wait3A_26] : memref<10240x128xf32, #tpu.memory_space<vmem_shared>> -> memref<10240x128xf32, #tpu.memory_space<vmem_shared>>
        tpu.wait_indirect_dma semaphore(%run_scoped3A : memref<!tpu.dma_semaphore, #tpu.memory_space<semaphore_mem>>) src(%arg9 : memref<128x128xf32, #tpu.memory_space<vmem>>) dst(%dma_wait3A_27 : memref<10240x128xf32, #tpu.memory_space<vmem_shared>>)
        tpu.yield
      }) : () -> ()
    }
    %scan3A_8 = arith.constant 79 : i32
    %barrier3A_9 = arith.constant 0 : index
    tpu.barrier barrier_id(%barrier3A_9)
    %mul3A_10 = arith.constant 640 : i32
    %mul3A_11 = arith.muli %arg1, %mul3A_10 : i32
    %mul3A_12 = arith.constant 640 : i32
    %mul3A_13 = arith.muli %arg1, %mul3A_12 : i32
    "tpu.region"() ({
      %run_scoped3A = tpu.sem_alloc : memref<!tpu.dma_semaphore, #tpu.memory_space<semaphore_mem>>
      %dma_start3A = arith.constant 0 : i32
      %dma_start3A_14 = arith.constant 0 : i32
      %dma_start3A_15 = tpu.memref_slice %arg6[%arg0, %dma_start3A, %dma_start3A_14] : memref<2x10240x128xf32, #tpu.memory_space<hbm>> -> memref<1x10240x128xf32, #tpu.memory_space<hbm>>
      %dma_start3A_16 = tpu.memref_squeeze %dma_start3A_15 : memref<1x10240x128xf32, #tpu.memory_space<hbm>> -> memref<10240x128xf32, #tpu.memory_space<hbm>>
      %dma_start3A_17 = arith.constant 0 : i32
      %dma_start3A_18 = tpu.memref_slice %dma_start3A_16[%mul3A_13, %dma_start3A_17] : memref<10240x128xf32, #tpu.memory_space<hbm>> -> memref<640x128xf32, #tpu.memory_space<hbm>>
      %dma_start3A_19 = arith.constant 0 : i32
      %dma_start3A_20 = tpu.memref_slice %arg10[%mul3A_11, %dma_start3A_19] : memref<10240x128xf32, #tpu.memory_space<vmem_shared>> -> memref<640x128xf32, #tpu.memory_space<vmem_shared>>
      tpu.enqueue_dma source(%dma_start3A_20 : memref<640x128xf32, #tpu.memory_space<vmem_shared>>) target(%dma_start3A_18 : memref<640x128xf32, #tpu.memory_space<hbm>>) target_semaphore(%run_scoped3A : memref<!tpu.dma_semaphore, #tpu.memory_space<semaphore_mem>>)
      %dma_wait3A = arith.constant 0 : i32
      %dma_wait3A_21 = arith.constant 0 : i32
      %dma_wait3A_22 = tpu.memref_slice %arg6[%arg0, %dma_wait3A, %dma_wait3A_21] : memref<2x10240x128xf32, #tpu.memory_space<hbm>> -> memref<1x10240x128xf32, #tpu.memory_space<hbm>>
      %dma_wait3A_23 = tpu.memref_squeeze %dma_wait3A_22 : memref<1x10240x128xf32, #tpu.memory_space<hbm>> -> memref<10240x128xf32, #tpu.memory_space<hbm>>
      %dma_wait3A_24 = arith.constant 0 : i32
      %dma_wait3A_25 = tpu.memref_slice %dma_wait3A_23[%mul3A_13, %dma_wait3A_24] : memref<10240x128xf32, #tpu.memory_space<hbm>> -> memref<640x128xf32, #tpu.memory_space<hbm>>
      %dma_wait3A_26 = arith.constant 0 : i32
      %dma_wait3A_27 = tpu.memref_slice %arg10[%mul3A_11, %dma_wait3A_26] : memref<10240x128xf32, #tpu.memory_space<vmem_shared>> -> memref<640x128xf32, #tpu.memory_space<vmem_shared>>
      tpu.wait_dma2 semaphore(%run_scoped3A : memref<!tpu.dma_semaphore, #tpu.memory_space<semaphore_mem>>) src(%dma_wait3A_27 : memref<640x128xf32, #tpu.memory_space<vmem_shared>>) dst(%dma_wait3A_25 : memref<640x128xf32, #tpu.memory_space<hbm>>)
      tpu.yield
    }) : () -> ()
    return
  }
}

#map = affine_map<(d0, d1) -> (0, 0)>
#map1 = affine_map<(d0, d1) -> (0)>
#map2 = affine_map<(d0, d1) -> (0, 0, 0)>
module attributes {stable_mosaic.version = 14 : i64} {
  func.func @k(%arg0: i32, %arg1: i32, %arg2: memref<10240x128xf32, #tpu.memory_space<hbm>>, %arg3: memref<323584xi32, #tpu.memory_space<hbm>>, %arg4: memref<323584xi32, #tpu.memory_space<hbm>>, %arg5: memref<10240x128xf32, #tpu.memory_space<hbm>>, %arg6: memref<2x10240x128xf32, #tpu.memory_space<hbm>>, %arg7: memref<128xi32, #tpu.memory_space<vmem>>, %arg8: memref<128xi32, #tpu.memory_space<vmem>>, %arg9: memref<128x128xf32, #tpu.memory_space<vmem>>, %arg10: memref<10240x128xf32, #tpu.memory_space<vmem_shared>>) attributes {dimension_semantics = [#tpu.dimension_semantics<core_parallel>, #tpu.dimension_semantics<subcore_parallel>], iteration_bounds = array<i64: 2, 16>, scalar_prefetch = 0 : i64, scratch_operands = 4 : i64, tpu.core_type = #tpu.core_type<sc_vector_subcore>, window_params = [{transform_indices = #map}, {transform_indices = #map1}, {transform_indices = #map1}, {transform_indices = #map}, {transform_indices = #map2}]} {
    %mul3A = arith.constant 16 : i32
    %mul3A_0 = arith.muli %arg0, %mul3A : i32
    %add3A = arith.addi %mul3A_0, %arg1 : i32
    %mul3A_1 = arith.constant 640 : i32
    %mul3A_2 = arith.muli %arg1, %mul3A_1 : i32
    %mul3A_3 = arith.constant 640 : i32
    %mul3A_4 = arith.muli %arg1, %mul3A_3 : i32
    "tpu.region"() ({
      %run_scoped3A = tpu.sem_alloc : memref<!tpu.dma_semaphore, #tpu.memory_space<semaphore_mem>>
      %dma_start3A = arith.constant 0 : i32
      %dma_start3A_14 = tpu.memref_slice %arg10[%mul3A_4, %dma_start3A] : memref<10240x128xf32, #tpu.memory_space<vmem_shared>> -> memref<640x128xf32, #tpu.memory_space<vmem_shared>>
      %dma_start3A_15 = arith.constant 0 : i32
      %dma_start3A_16 = tpu.memref_slice %arg5[%mul3A_2, %dma_start3A_15] : memref<10240x128xf32, #tpu.memory_space<hbm>> -> memref<640x128xf32, #tpu.memory_space<hbm>>
      tpu.enqueue_dma source(%dma_start3A_16 : memref<640x128xf32, #tpu.memory_space<hbm>>) target(%dma_start3A_14 : memref<640x128xf32, #tpu.memory_space<vmem_shared>>) target_semaphore(%run_scoped3A : memref<!tpu.dma_semaphore, #tpu.memory_space<semaphore_mem>>)
      %dma_wait3A = arith.constant 0 : i32
      %dma_wait3A_17 = tpu.memref_slice %arg10[%mul3A_4, %dma_wait3A] : memref<10240x128xf32, #tpu.memory_space<vmem_shared>> -> memref<640x128xf32, #tpu.memory_space<vmem_shared>>
      %dma_wait3A_18 = arith.constant 0 : i32
      %dma_wait3A_19 = tpu.memref_slice %arg5[%mul3A_2, %dma_wait3A_18] : memref<10240x128xf32, #tpu.memory_space<hbm>> -> memref<640x128xf32, #tpu.memory_space<hbm>>
      tpu.wait_dma2 semaphore(%run_scoped3A : memref<!tpu.dma_semaphore, #tpu.memory_space<semaphore_mem>>) src(%dma_wait3A_19 : memref<640x128xf32, #tpu.memory_space<hbm>>) dst(%dma_wait3A_17 : memref<640x128xf32, #tpu.memory_space<vmem_shared>>)
      tpu.yield
    }) : () -> ()
    %barrier3A = arith.constant 0 : index
    tpu.barrier barrier_id(%barrier3A)
    %scan3A = arith.constant 0 : i32
    %scan3A_5 = arith.constant 79 : i32
    %scan3A_6 = arith.addi %scan3A, %scan3A_5 : i32
    %scan3A_7 = arith.constant 1 : i32
    scf.for %scan3A_14 = %scan3A to %scan3A_6 step %scan3A_7  : i32 {
      %mul3A_15 = arith.constant 1 : i32
      %mul3A_16 = arith.muli %scan3A_14, %mul3A_15 : i32
      %add3A_17 = arith.constant 0 : i32
      %add3A_18 = arith.addi %add3A_17, %mul3A_16 : i32
      %mul3A_19 = arith.constant 10112 : i32
      %mul3A_20 = arith.muli %add3A, %mul3A_19 : i32
      %mul3A_21 = arith.constant 128 : i32
      %mul3A_22 = arith.muli %add3A_18, %mul3A_21 : i32
      %add3A_23 = arith.addi %mul3A_20, %mul3A_22 : i32
      "tpu.region"() ({
        %run_scoped3A = tpu.sem_alloc : memref<!tpu.dma_semaphore, #tpu.memory_space<semaphore_mem>>
        %dma_start3A = tpu.memref_slice %arg3[%add3A_23] : memref<323584xi32, #tpu.memory_space<hbm>> -> memref<128xi32, #tpu.memory_space<hbm>>
        %dma_start3A_24 = tpu.memref_slice %arg3[%add3A_23] : memref<323584xi32, #tpu.memory_space<hbm>> -> memref<128xi32, #tpu.memory_space<hbm>>
        tpu.enqueue_dma source(%dma_start3A_24 : memref<128xi32, #tpu.memory_space<hbm>>) target(%arg7 : memref<128xi32, #tpu.memory_space<vmem>>) target_semaphore(%run_scoped3A : memref<!tpu.dma_semaphore, #tpu.memory_space<semaphore_mem>>)
        %dma_wait3A = tpu.memref_slice %arg3[%add3A_23] : memref<323584xi32, #tpu.memory_space<hbm>> -> memref<128xi32, #tpu.memory_space<hbm>>
        %dma_wait3A_25 = tpu.memref_slice %arg3[%add3A_23] : memref<323584xi32, #tpu.memory_space<hbm>> -> memref<128xi32, #tpu.memory_space<hbm>>
        tpu.wait_dma2 semaphore(%run_scoped3A : memref<!tpu.dma_semaphore, #tpu.memory_space<semaphore_mem>>) src(%dma_wait3A_25 : memref<128xi32, #tpu.memory_space<hbm>>) dst(%arg7 : memref<128xi32, #tpu.memory_space<vmem>>)
        tpu.yield
      }) : () -> ()
      "tpu.region"() ({
        %run_scoped3A = tpu.sem_alloc : memref<!tpu.dma_semaphore, #tpu.memory_space<semaphore_mem>>
        %dma_start3A = tpu.memref_slice %arg4[%add3A_23] : memref<323584xi32, #tpu.memory_space<hbm>> -> memref<128xi32, #tpu.memory_space<hbm>>
        %dma_start3A_24 = tpu.memref_slice %arg4[%add3A_23] : memref<323584xi32, #tpu.memory_space<hbm>> -> memref<128xi32, #tpu.memory_space<hbm>>
        tpu.enqueue_dma source(%dma_start3A_24 : memref<128xi32, #tpu.memory_space<hbm>>) target(%arg8 : memref<128xi32, #tpu.memory_space<vmem>>) target_semaphore(%run_scoped3A : memref<!tpu.dma_semaphore, #tpu.memory_space<semaphore_mem>>)
        %dma_wait3A = tpu.memref_slice %arg4[%add3A_23] : memref<323584xi32, #tpu.memory_space<hbm>> -> memref<128xi32, #tpu.memory_space<hbm>>
        %dma_wait3A_25 = tpu.memref_slice %arg4[%add3A_23] : memref<323584xi32, #tpu.memory_space<hbm>> -> memref<128xi32, #tpu.memory_space<hbm>>
        tpu.wait_dma2 semaphore(%run_scoped3A : memref<!tpu.dma_semaphore, #tpu.memory_space<semaphore_mem>>) src(%dma_wait3A_25 : memref<128xi32, #tpu.memory_space<hbm>>) dst(%arg8 : memref<128xi32, #tpu.memory_space<vmem>>)
        tpu.yield
      }) : () -> ()
      "tpu.region"() ({
        %run_scoped3A = tpu.sem_alloc : memref<!tpu.dma_semaphore, #tpu.memory_space<semaphore_mem>>
        %dma_start3A = arith.constant 0 : i32
        %dma_start3A_24 = arith.constant 0 : i32
        %dma_start3A_25 = tpu.memref_slice %arg2[%dma_start3A, %dma_start3A_24] : memref<10240x128xf32, #tpu.memory_space<hbm>> -> memref<10240x128xf32, #tpu.memory_space<hbm>>
        tpu.enqueue_indirect_dma source(%dma_start3A_25 : memref<10240x128xf32, #tpu.memory_space<hbm>>) target(%arg9 : memref<128x128xf32, #tpu.memory_space<vmem>>) offsets(%arg7 : memref<128xi32, #tpu.memory_space<vmem>>) semaphore(%run_scoped3A : memref<!tpu.dma_semaphore, #tpu.memory_space<semaphore_mem>>)
        %dma_wait3A = arith.constant 0 : i32
        %dma_wait3A_26 = arith.constant 0 : i32
        %dma_wait3A_27 = tpu.memref_slice %arg2[%dma_wait3A, %dma_wait3A_26] : memref<10240x128xf32, #tpu.memory_space<hbm>> -> memref<10240x128xf32, #tpu.memory_space<hbm>>
        tpu.wait_indirect_dma semaphore(%run_scoped3A : memref<!tpu.dma_semaphore, #tpu.memory_space<semaphore_mem>>) src(%dma_wait3A_27 : memref<10240x128xf32, #tpu.memory_space<hbm>>) dst(%arg9 : memref<128x128xf32, #tpu.memory_space<vmem>>)
        tpu.yield
      }) : () -> ()
      "tpu.region"() ({
        %run_scoped3A = tpu.sem_alloc : memref<!tpu.dma_semaphore, #tpu.memory_space<semaphore_mem>>
        %dma_start3A = arith.constant 0 : i32
        %dma_start3A_24 = arith.constant 0 : i32
        %dma_start3A_25 = tpu.memref_slice %arg10[%dma_start3A, %dma_start3A_24] : memref<10240x128xf32, #tpu.memory_space<vmem_shared>> -> memref<10240x128xf32, #tpu.memory_space<vmem_shared>>
        tpu.enqueue_indirect_dma source(%arg9 : memref<128x128xf32, #tpu.memory_space<vmem>>) target(%dma_start3A_25 : memref<10240x128xf32, #tpu.memory_space<vmem_shared>>) offsets(%arg8 : memref<128xi32, #tpu.memory_space<vmem>>) semaphore(%run_scoped3A : memref<!tpu.dma_semaphore, #tpu.memory_space<semaphore_mem>>) {add = true}
        %dma_wait3A = arith.constant 0 : i32
        %dma_wait3A_26 = arith.constant 0 : i32
        %dma_wait3A_27 = tpu.memref_slice %arg10[%dma_wait3A, %dma_wait3A_26] : memref<10240x128xf32, #tpu.memory_space<vmem_shared>> -> memref<10240x128xf32, #tpu.memory_space<vmem_shared>>
        tpu.wait_indirect_dma semaphore(%run_scoped3A : memref<!tpu.dma_semaphore, #tpu.memory_space<semaphore_mem>>) src(%arg9 : memref<128x128xf32, #tpu.memory_space<vmem>>) dst(%dma_wait3A_27 : memref<10240x128xf32, #tpu.memory_space<vmem_shared>>)
        tpu.yield
      }) : () -> ()
    }
    %scan3A_8 = arith.constant 79 : i32
    %barrier3A_9 = arith.constant 0 : index
    tpu.barrier barrier_id(%barrier3A_9)
    %mul3A_10 = arith.constant 640 : i32
    %mul3A_11 = arith.muli %arg1, %mul3A_10 : i32
    %mul3A_12 = arith.constant 640 : i32
    %mul3A_13 = arith.muli %arg1, %mul3A_12 : i32
    "tpu.region"() ({
      %run_scoped3A = tpu.sem_alloc : memref<!tpu.dma_semaphore, #tpu.memory_space<semaphore_mem>>
      %dma_start3A = arith.constant 0 : i32
      %dma_start3A_14 = arith.constant 0 : i32
      %dma_start3A_15 = tpu.memref_slice %arg6[%arg0, %dma_start3A, %dma_start3A_14] : memref<2x10240x128xf32, #tpu.memory_space<hbm>> -> memref<1x10240x128xf32, #tpu.memory_space<hbm>>
      %dma_start3A_16 = tpu.memref_squeeze %dma_start3A_15 : memref<1x10240x128xf32, #tpu.memory_space<hbm>> -> memref<10240x128xf32, #tpu.memory_space<hbm>>
      %dma_start3A_17 = arith.constant 0 : i32
      %dma_start3A_18 = tpu.memref_slice %dma_start3A_16[%mul3A_13, %dma_start3A_17] : memref<10240x128xf32, #tpu.memory_space<hbm>> -> memref<640x128xf32, #tpu.memory_space<hbm>>
      %dma_start3A_19 = arith.constant 0 : i32
      %dma_start3A_20 = tpu.memref_slice %arg10[%mul3A_11, %dma_start3A_19] : memref<10240x128xf32, #tpu.memory_space<vmem_shared>> -> memref<640x128xf32, #tpu.memory_space<vmem_shared>>
      tpu.enqueue_dma source(%dma_start3A_20 : memref<640x128xf32, #tpu.memory_space<vmem_shared>>) target(%dma_start3A_18 : memref<640x128xf32, #tpu.memory_space<hbm>>) target_semaphore(%run_scoped3A : memref<!tpu.dma_semaphore, #tpu.memory_space<semaphore_mem>>)
      %dma_wait3A = arith.constant 0 : i32
      %dma_wait3A_21 = arith.constant 0 : i32
      %dma_wait3A_22 = tpu.memref_slice %arg6[%arg0, %dma_wait3A, %dma_wait3A_21] : memref<2x10240x128xf32, #tpu.memory_space<hbm>> -> memref<1x10240x128xf32, #tpu.memory_space<hbm>>
      %dma_wait3A_23 = tpu.memref_squeeze %dma_wait3A_22 : memref<1x10240x128xf32, #tpu.memory_space<hbm>> -> memref<10240x128xf32, #tpu.memory_space<hbm>>
      %dma_wait3A_24 = arith.constant 0 : i32
      %dma_wait3A_25 = tpu.memref_slice %dma_wait3A_23[%mul3A_13, %dma_wait3A_24] : memref<10240x128xf32, #tpu.memory_space<hbm>> -> memref<640x128xf32, #tpu.memory_space<hbm>>
      %dma_wait3A_26 = arith.constant 0 : i32
      %dma_wait3A_27 = tpu.memref_slice %arg10[%mul3A_11, %dma_wait3A_26] : memref<10240x128xf32, #tpu.memory_space<vmem_shared>> -> memref<640x128xf32, #tpu.memory_space<vmem_shared>>
      tpu.wait_dma2 semaphore(%run_scoped3A : memref<!tpu.dma_semaphore, #tpu.memory_space<semaphore_mem>>) src(%dma_wait3A_27 : memref<640x128xf32, #tpu.memory_space<vmem_shared>>) dst(%dma_wait3A_25 : memref<640x128xf32, #tpu.memory_space<hbm>>)
      tpu.yield
    }) : () -> ()
    return
  }
}

#map = affine_map<(d0, d1) -> (0, 0)>
#map1 = affine_map<(d0, d1) -> (0)>
#map2 = affine_map<(d0, d1) -> (0, 0, 0)>
module attributes {stable_mosaic.version = 14 : i64} {
  func.func @k(%arg0: i32, %arg1: i32, %arg2: memref<320000x128xf32, #tpu.memory_space<hbm>>, %arg3: memref<10240xi32, #tpu.memory_space<hbm>>, %arg4: memref<323584xi32, #tpu.memory_space<hbm>>, %arg5: memref<10240x128xf32, #tpu.memory_space<hbm>>, %arg6: memref<128x128xf32, #tpu.memory_space<hbm>>, %arg7: memref<10240x128xf32, #tpu.memory_space<hbm>>, %arg8: memref<2x10240x128xf32, #tpu.memory_space<hbm>>, %arg9: memref<64xi32, #tpu.memory_space<vmem>>, %arg10: memref<64x128xf32, #tpu.memory_space<vmem>>, %arg11: memref<128xi32, #tpu.memory_space<vmem>>, %arg12: memref<128x128xf32, #tpu.memory_space<vmem>>, %arg13: memref<10240x128xf32, #tpu.memory_space<vmem_shared>>) attributes {dimension_semantics = [#tpu.dimension_semantics<core_parallel>, #tpu.dimension_semantics<subcore_parallel>], iteration_bounds = array<i64: 2, 16>, scalar_prefetch = 0 : i64, scratch_operands = 5 : i64, tpu.core_type = #tpu.core_type<sc_vector_subcore>, window_params = [{transform_indices = #map}, {transform_indices = #map1}, {transform_indices = #map1}, {transform_indices = #map}, {transform_indices = #map}, {transform_indices = #map}, {transform_indices = #map2}]} {
    %mul3A = arith.constant 16 : i32
    %mul3A_0 = arith.muli %arg0, %mul3A : i32
    %add3A = arith.addi %mul3A_0, %arg1 : i32
    %mul3A_1 = arith.constant 640 : i32
    %mul3A_2 = arith.muli %arg1, %mul3A_1 : i32
    %mul3A_3 = arith.constant 640 : i32
    %mul3A_4 = arith.muli %arg1, %mul3A_3 : i32
    "tpu.region"() ({
      %run_scoped3A = tpu.sem_alloc : memref<!tpu.dma_semaphore, #tpu.memory_space<semaphore_mem>>
      %dma_start3A = arith.constant 0 : i32
      %dma_start3A_19 = tpu.memref_slice %arg13[%mul3A_4, %dma_start3A] : memref<10240x128xf32, #tpu.memory_space<vmem_shared>> -> memref<640x128xf32, #tpu.memory_space<vmem_shared>>
      %dma_start3A_20 = arith.constant 0 : i32
      %dma_start3A_21 = tpu.memref_slice %arg5[%mul3A_2, %dma_start3A_20] : memref<10240x128xf32, #tpu.memory_space<hbm>> -> memref<640x128xf32, #tpu.memory_space<hbm>>
      tpu.enqueue_dma source(%dma_start3A_21 : memref<640x128xf32, #tpu.memory_space<hbm>>) target(%dma_start3A_19 : memref<640x128xf32, #tpu.memory_space<vmem_shared>>) target_semaphore(%run_scoped3A : memref<!tpu.dma_semaphore, #tpu.memory_space<semaphore_mem>>)
      %dma_wait3A = arith.constant 0 : i32
      %dma_wait3A_22 = tpu.memref_slice %arg13[%mul3A_4, %dma_wait3A] : memref<10240x128xf32, #tpu.memory_space<vmem_shared>> -> memref<640x128xf32, #tpu.memory_space<vmem_shared>>
      %dma_wait3A_23 = arith.constant 0 : i32
      %dma_wait3A_24 = tpu.memref_slice %arg5[%mul3A_2, %dma_wait3A_23] : memref<10240x128xf32, #tpu.memory_space<hbm>> -> memref<640x128xf32, #tpu.memory_space<hbm>>
      tpu.wait_dma2 semaphore(%run_scoped3A : memref<!tpu.dma_semaphore, #tpu.memory_space<semaphore_mem>>) src(%dma_wait3A_24 : memref<640x128xf32, #tpu.memory_space<hbm>>) dst(%dma_wait3A_22 : memref<640x128xf32, #tpu.memory_space<vmem_shared>>)
      tpu.yield
    }) : () -> ()
    "tpu.region"() ({
      %run_scoped3A = tpu.sem_alloc : memref<!tpu.dma_semaphore, #tpu.memory_space<semaphore_mem>>
      tpu.enqueue_dma source(%arg6 : memref<128x128xf32, #tpu.memory_space<hbm>>) target(%arg12 : memref<128x128xf32, #tpu.memory_space<vmem>>) target_semaphore(%run_scoped3A : memref<!tpu.dma_semaphore, #tpu.memory_space<semaphore_mem>>)
      tpu.wait_dma2 semaphore(%run_scoped3A : memref<!tpu.dma_semaphore, #tpu.memory_space<semaphore_mem>>) src(%arg6 : memref<128x128xf32, #tpu.memory_space<hbm>>) dst(%arg12 : memref<128x128xf32, #tpu.memory_space<vmem>>)
      tpu.yield
    }) : () -> ()
    %barrier3A = arith.constant 0 : index
    tpu.barrier barrier_id(%barrier3A)
    %scan3A = arith.constant 0 : i32
    %scan3A_5 = arith.constant 5 : i32
    %scan3A_6 = arith.addi %scan3A, %scan3A_5 : i32
    %scan3A_7 = arith.constant 1 : i32
    scf.for %scan3A_19 = %scan3A to %scan3A_6 step %scan3A_7  : i32 {
      %mul3A_20 = arith.constant 1 : i32
      %mul3A_21 = arith.muli %scan3A_19, %mul3A_20 : i32
      %add3A_22 = arith.constant 0 : i32
      %add3A_23 = arith.addi %add3A_22, %mul3A_21 : i32
      %mul3A_24 = arith.constant 320 : i32
      %mul3A_25 = arith.muli %add3A, %mul3A_24 : i32
      %mul3A_26 = arith.constant 64 : i32
      %mul3A_27 = arith.muli %add3A_23, %mul3A_26 : i32
      %add3A_28 = arith.addi %mul3A_25, %mul3A_27 : i32
      "tpu.region"() ({
        %run_scoped3A = tpu.sem_alloc : memref<!tpu.dma_semaphore, #tpu.memory_space<semaphore_mem>>
        %dma_start3A = tpu.memref_slice %arg3[%add3A_28] : memref<10240xi32, #tpu.memory_space<hbm>> -> memref<64xi32, #tpu.memory_space<hbm>>
        %dma_start3A_29 = tpu.memref_slice %arg3[%add3A_28] : memref<10240xi32, #tpu.memory_space<hbm>> -> memref<64xi32, #tpu.memory_space<hbm>>
        tpu.enqueue_dma source(%dma_start3A_29 : memref<64xi32, #tpu.memory_space<hbm>>) target(%arg9 : memref<64xi32, #tpu.memory_space<vmem>>) target_semaphore(%run_scoped3A : memref<!tpu.dma_semaphore, #tpu.memory_space<semaphore_mem>>)
        %dma_wait3A = tpu.memref_slice %arg3[%add3A_28] : memref<10240xi32, #tpu.memory_space<hbm>> -> memref<64xi32, #tpu.memory_space<hbm>>
        %dma_wait3A_30 = tpu.memref_slice %arg3[%add3A_28] : memref<10240xi32, #tpu.memory_space<hbm>> -> memref<64xi32, #tpu.memory_space<hbm>>
        tpu.wait_dma2 semaphore(%run_scoped3A : memref<!tpu.dma_semaphore, #tpu.memory_space<semaphore_mem>>) src(%dma_wait3A_30 : memref<64xi32, #tpu.memory_space<hbm>>) dst(%arg9 : memref<64xi32, #tpu.memory_space<vmem>>)
        tpu.yield
      }) : () -> ()
      "tpu.region"() ({
        %run_scoped3A = tpu.sem_alloc : memref<!tpu.dma_semaphore, #tpu.memory_space<semaphore_mem>>
        %dma_start3A = arith.constant 0 : i32
        %dma_start3A_29 = arith.constant 0 : i32
        %dma_start3A_30 = tpu.memref_slice %arg2[%dma_start3A, %dma_start3A_29] : memref<320000x128xf32, #tpu.memory_space<hbm>> -> memref<320000x128xf32, #tpu.memory_space<hbm>>
        tpu.enqueue_indirect_dma source(%dma_start3A_30 : memref<320000x128xf32, #tpu.memory_space<hbm>>) target(%arg10 : memref<64x128xf32, #tpu.memory_space<vmem>>) offsets(%arg9 : memref<64xi32, #tpu.memory_space<vmem>>) semaphore(%run_scoped3A : memref<!tpu.dma_semaphore, #tpu.memory_space<semaphore_mem>>)
        %dma_wait3A = arith.constant 0 : i32
        %dma_wait3A_31 = arith.constant 0 : i32
        %dma_wait3A_32 = tpu.memref_slice %arg2[%dma_wait3A, %dma_wait3A_31] : memref<320000x128xf32, #tpu.memory_space<hbm>> -> memref<320000x128xf32, #tpu.memory_space<hbm>>
        tpu.wait_indirect_dma semaphore(%run_scoped3A : memref<!tpu.dma_semaphore, #tpu.memory_space<semaphore_mem>>) src(%dma_wait3A_32 : memref<320000x128xf32, #tpu.memory_space<hbm>>) dst(%arg10 : memref<64x128xf32, #tpu.memory_space<vmem>>)
        tpu.yield
      }) : () -> ()
      "tpu.region"() ({
        %run_scoped3A = tpu.sem_alloc : memref<!tpu.dma_semaphore, #tpu.memory_space<semaphore_mem>>
        %dma_start3A = arith.constant 0 : i32
        %dma_start3A_29 = tpu.memref_slice %arg7[%add3A_28, %dma_start3A] : memref<10240x128xf32, #tpu.memory_space<hbm>> -> memref<64x128xf32, #tpu.memory_space<hbm>>
        %dma_start3A_30 = arith.constant 0 : i32
        %dma_start3A_31 = tpu.memref_slice %arg7[%add3A_28, %dma_start3A_30] : memref<10240x128xf32, #tpu.memory_space<hbm>> -> memref<64x128xf32, #tpu.memory_space<hbm>>
        tpu.enqueue_dma source(%arg10 : memref<64x128xf32, #tpu.memory_space<vmem>>) target(%dma_start3A_31 : memref<64x128xf32, #tpu.memory_space<hbm>>) target_semaphore(%run_scoped3A : memref<!tpu.dma_semaphore, #tpu.memory_space<semaphore_mem>>)
        %dma_wait3A = arith.constant 0 : i32
        %dma_wait3A_32 = tpu.memref_slice %arg7[%add3A_28, %dma_wait3A] : memref<10240x128xf32, #tpu.memory_space<hbm>> -> memref<64x128xf32, #tpu.memory_space<hbm>>
        %dma_wait3A_33 = arith.constant 0 : i32
        %dma_wait3A_34 = tpu.memref_slice %arg7[%add3A_28, %dma_wait3A_33] : memref<10240x128xf32, #tpu.memory_space<hbm>> -> memref<64x128xf32, #tpu.memory_space<hbm>>
        tpu.wait_dma2 semaphore(%run_scoped3A : memref<!tpu.dma_semaphore, #tpu.memory_space<semaphore_mem>>) src(%arg10 : memref<64x128xf32, #tpu.memory_space<vmem>>) dst(%dma_wait3A_34 : memref<64x128xf32, #tpu.memory_space<hbm>>)
        tpu.yield
      }) : () -> ()
    }
    %scan3A_8 = arith.constant 5 : i32
    %scan3A_9 = arith.constant 0 : i32
    %scan3A_10 = arith.constant 79 : i32
    %scan3A_11 = arith.addi %scan3A_9, %scan3A_10 : i32
    %scan3A_12 = arith.constant 1 : i32
    scf.for %scan3A_19 = %scan3A_9 to %scan3A_11 step %scan3A_12  : i32 {
      %mul3A_20 = arith.constant 1 : i32
      %mul3A_21 = arith.muli %scan3A_19, %mul3A_20 : i32
      %add3A_22 = arith.constant 0 : i32
      %add3A_23 = arith.addi %add3A_22, %mul3A_21 : i32
      %mul3A_24 = arith.constant 10112 : i32
      %mul3A_25 = arith.muli %add3A, %mul3A_24 : i32
      %mul3A_26 = arith.constant 128 : i32
      %mul3A_27 = arith.muli %add3A_23, %mul3A_26 : i32
      %add3A_28 = arith.addi %mul3A_25, %mul3A_27 : i32
      "tpu.region"() ({
        %run_scoped3A = tpu.sem_alloc : memref<!tpu.dma_semaphore, #tpu.memory_space<semaphore_mem>>
        %dma_start3A = tpu.memref_slice %arg4[%add3A_28] : memref<323584xi32, #tpu.memory_space<hbm>> -> memref<128xi32, #tpu.memory_space<hbm>>
        %dma_start3A_29 = tpu.memref_slice %arg4[%add3A_28] : memref<323584xi32, #tpu.memory_space<hbm>> -> memref<128xi32, #tpu.memory_space<hbm>>
        tpu.enqueue_dma source(%dma_start3A_29 : memref<128xi32, #tpu.memory_space<hbm>>) target(%arg11 : memref<128xi32, #tpu.memory_space<vmem>>) target_semaphore(%run_scoped3A : memref<!tpu.dma_semaphore, #tpu.memory_space<semaphore_mem>>)
        %dma_wait3A = tpu.memref_slice %arg4[%add3A_28] : memref<323584xi32, #tpu.memory_space<hbm>> -> memref<128xi32, #tpu.memory_space<hbm>>
        %dma_wait3A_30 = tpu.memref_slice %arg4[%add3A_28] : memref<323584xi32, #tpu.memory_space<hbm>> -> memref<128xi32, #tpu.memory_space<hbm>>
        tpu.wait_dma2 semaphore(%run_scoped3A : memref<!tpu.dma_semaphore, #tpu.memory_space<semaphore_mem>>) src(%dma_wait3A_30 : memref<128xi32, #tpu.memory_space<hbm>>) dst(%arg11 : memref<128xi32, #tpu.memory_space<vmem>>)
        tpu.yield
      }) : () -> ()
      "tpu.region"() ({
        %run_scoped3A = tpu.sem_alloc : memref<!tpu.dma_semaphore, #tpu.memory_space<semaphore_mem>>
        %dma_start3A = arith.constant 0 : i32
        %dma_start3A_29 = arith.constant 0 : i32
        %dma_start3A_30 = tpu.memref_slice %arg13[%dma_start3A, %dma_start3A_29] : memref<10240x128xf32, #tpu.memory_space<vmem_shared>> -> memref<10240x128xf32, #tpu.memory_space<vmem_shared>>
        tpu.enqueue_indirect_dma source(%arg12 : memref<128x128xf32, #tpu.memory_space<vmem>>) target(%dma_start3A_30 : memref<10240x128xf32, #tpu.memory_space<vmem_shared>>) offsets(%arg11 : memref<128xi32, #tpu.memory_space<vmem>>) semaphore(%run_scoped3A : memref<!tpu.dma_semaphore, #tpu.memory_space<semaphore_mem>>) {add = true}
        %dma_wait3A = arith.constant 0 : i32
        %dma_wait3A_31 = arith.constant 0 : i32
        %dma_wait3A_32 = tpu.memref_slice %arg13[%dma_wait3A, %dma_wait3A_31] : memref<10240x128xf32, #tpu.memory_space<vmem_shared>> -> memref<10240x128xf32, #tpu.memory_space<vmem_shared>>
        tpu.wait_indirect_dma semaphore(%run_scoped3A : memref<!tpu.dma_semaphore, #tpu.memory_space<semaphore_mem>>) src(%arg12 : memref<128x128xf32, #tpu.memory_space<vmem>>) dst(%dma_wait3A_32 : memref<10240x128xf32, #tpu.memory_space<vmem_shared>>)
        tpu.yield
      }) : () -> ()
    }
    %scan3A_13 = arith.constant 79 : i32
    %barrier3A_14 = arith.constant 0 : index
    tpu.barrier barrier_id(%barrier3A_14)
    %mul3A_15 = arith.constant 640 : i32
    %mul3A_16 = arith.muli %arg1, %mul3A_15 : i32
    %mul3A_17 = arith.constant 640 : i32
    %mul3A_18 = arith.muli %arg1, %mul3A_17 : i32
    "tpu.region"() ({
      %run_scoped3A = tpu.sem_alloc : memref<!tpu.dma_semaphore, #tpu.memory_space<semaphore_mem>>
      %dma_start3A = arith.constant 0 : i32
      %dma_start3A_19 = arith.constant 0 : i32
      %dma_start3A_20 = tpu.memref_slice %arg8[%arg0, %dma_start3A, %dma_start3A_19] : memref<2x10240x128xf32, #tpu.memory_space<hbm>> -> memref<1x10240x128xf32, #tpu.memory_space<hbm>>
      %dma_start3A_21 = tpu.memref_squeeze %dma_start3A_20 : memref<1x10240x128xf32, #tpu.memory_space<hbm>> -> memref<10240x128xf32, #tpu.memory_space<hbm>>
      %dma_start3A_22 = arith.constant 0 : i32
      %dma_start3A_23 = tpu.memref_slice %dma_start3A_21[%mul3A_18, %dma_start3A_22] : memref<10240x128xf32, #tpu.memory_space<hbm>> -> memref<640x128xf32, #tpu.memory_space<hbm>>
      %dma_start3A_24 = arith.constant 0 : i32
      %dma_start3A_25 = tpu.memref_slice %arg13[%mul3A_16, %dma_start3A_24] : memref<10240x128xf32, #tpu.memory_space<vmem_shared>> -> memref<640x128xf32, #tpu.memory_space<vmem_shared>>
      tpu.enqueue_dma source(%dma_start3A_25 : memref<640x128xf32, #tpu.memory_space<vmem_shared>>) target(%dma_start3A_23 : memref<640x128xf32, #tpu.memory_space<hbm>>) target_semaphore(%run_scoped3A : memref<!tpu.dma_semaphore, #tpu.memory_space<semaphore_mem>>)
      %dma_wait3A = arith.constant 0 : i32
      %dma_wait3A_26 = arith.constant 0 : i32
      %dma_wait3A_27 = tpu.memref_slice %arg8[%arg0, %dma_wait3A, %dma_wait3A_26] : memref<2x10240x128xf32, #tpu.memory_space<hbm>> -> memref<1x10240x128xf32, #tpu.memory_space<hbm>>
      %dma_wait3A_28 = tpu.memref_squeeze %dma_wait3A_27 : memref<1x10240x128xf32, #tpu.memory_space<hbm>> -> memref<10240x128xf32, #tpu.memory_space<hbm>>
      %dma_wait3A_29 = arith.constant 0 : i32
      %dma_wait3A_30 = tpu.memref_slice %dma_wait3A_28[%mul3A_18, %dma_wait3A_29] : memref<10240x128xf32, #tpu.memory_space<hbm>> -> memref<640x128xf32, #tpu.memory_space<hbm>>
      %dma_wait3A_31 = arith.constant 0 : i32
      %dma_wait3A_32 = tpu.memref_slice %arg13[%mul3A_16, %dma_wait3A_31] : memref<10240x128xf32, #tpu.memory_space<vmem_shared>> -> memref<640x128xf32, #tpu.memory_space<vmem_shared>>
      tpu.wait_dma2 semaphore(%run_scoped3A : memref<!tpu.dma_semaphore, #tpu.memory_space<semaphore_mem>>) src(%dma_wait3A_32 : memref<640x128xf32, #tpu.memory_space<vmem_shared>>) dst(%dma_wait3A_30 : memref<640x128xf32, #tpu.memory_space<hbm>>)
      tpu.yield
    }) : () -> ()
    return
  }
}

module attributes {stable_mosaic.version = 14 : i64} {
  func.func @body(%arg0: i32, %arg1: memref<2x2048x128xf32, #tpu.memory_space<vmem>>, %arg2: memref<2048x128xf32, #tpu.memory_space<vmem>>, %arg3: memref<2048x128xf32, #tpu.memory_space<vmem>>) attributes {dimension_semantics = [#tpu.dimension_semantics<arbitrary>], iteration_bounds = array<i64: 5>, scalar_prefetch = 0 : i64, scratch_operands = 0 : i64, tpu.core_type = #tpu.core_type<tc>, window_params = [{transform_indices = @transform_0, window_bounds = array<i64: 2, 2048, 128>}, {transform_indices = @transform_1, window_bounds = array<i64: 2048, 128>}, {transform_indices = @transform_2, window_bounds = array<i64: 2048, 128>}]} {
    %get3A = arith.constant 0 : index
    %get3A_0 = arith.constant 0 : index
    %get3A_1 = arith.constant 0 : index
    %get3A_2 = vector.load %arg1[%get3A, %get3A_0, %get3A_1] : memref<2x2048x128xf32, #tpu.memory_space<vmem>>, vector<1x2048x1xf32>
    %get3A_3 = vector.shape_cast %get3A_2 : vector<1x2048x1xf32> to vector<2048x1xf32>
    %get3A_4 = arith.constant 1 : index
    %get3A_5 = arith.constant 0 : index
    %get3A_6 = arith.constant 0 : index
    %get3A_7 = vector.load %arg1[%get3A_4, %get3A_5, %get3A_6] : memref<2x2048x128xf32, #tpu.memory_space<vmem>>, vector<1x2048x1xf32>
    %get3A_8 = vector.shape_cast %get3A_7 : vector<1x2048x1xf32> to vector<2048x1xf32>
    %add3A = arith.addf %get3A_3, %get3A_8 : vector<2048x1xf32>
    %add3A_9 = arith.constant 1.000000e+00 : f32
    %add3A_10 = vector.broadcast %add3A_9 : f32 to vector<2048x1xf32>
    %add3A_11 = arith.addf %add3A, %add3A_10 : vector<2048x1xf32>
    %get3A_12 = arith.constant 0 : index
    %get3A_13 = arith.constant 0 : index
    %get3A_14 = vector.load %arg2[%get3A_12, %get3A_13] : memref<2048x128xf32, #tpu.memory_space<vmem>>, vector<2048x128xf32>
    %rsqrt3A = math.rsqrt %add3A_11 : vector<2048x1xf32>
    %mul3A = vector.broadcast %rsqrt3A : vector<2048x1xf32> to vector<2048x128xf32>
    %mul3A_15 = arith.mulf %get3A_14, %mul3A : vector<2048x128xf32>
    %swap3A = arith.constant 0 : index
    %swap3A_16 = arith.constant 0 : index
    %swap3A_17 = vector.load %arg3[%swap3A, %swap3A_16] : memref<2048x128xf32, #tpu.memory_space<vmem>>, vector<2048x128xf32>
    tpu.vector_store %arg3[%swap3A, %swap3A_16], %mul3A_15 {strides = array<i32>} : memref<2048x128xf32, #tpu.memory_space<vmem>>, vector<2048x128xf32>,
    return
  }
  func.func @transform_0(%arg0: i32) -> (i32, i32, i32) {
    %c0_i32 = arith.constant 0 : i32
    %c0_i32_0 = arith.constant 0 : i32
    %c0_i32_1 = arith.constant 0 : i32
    return %c0_i32, %arg0, %c0_i32_0 : i32, i32, i32
  }
  func.func @transform_1(%arg0: i32) -> (i32, i32) {
    %c0_i32 = arith.constant 0 : i32
    %c0_i32_0 = arith.constant 0 : i32
    return %arg0, %c0_i32 : i32, i32
  }
  func.func @transform_2(%arg0: i32) -> (i32, i32) {
    %c0_i32 = arith.constant 0 : i32
    %c0_i32_0 = arith.constant 0 : i32
    return %arg0, %c0_i32 : i32, i32
  }
}

module attributes {stable_mosaic.version = 14 : i64} {
  func.func @body(%arg0: i32, %arg1: memref<2x2048x128xf32, #tpu.memory_space<vmem>>, %arg2: memref<2048x128xf32, #tpu.memory_space<vmem>>, %arg3: memref<2x2048x128xf32, #tpu.memory_space<vmem>>, %arg4: memref<128x128xf32, #tpu.memory_space<vmem>>, %arg5: memref<1x128xf32, #tpu.memory_space<vmem>>, %arg6: memref<2048x128xf32, #tpu.memory_space<vmem>>, %arg7: memref<2048x128xf32, #tpu.memory_space<vmem>>) attributes {dimension_semantics = [#tpu.dimension_semantics<arbitrary>], iteration_bounds = array<i64: 5>, scalar_prefetch = 0 : i64, scratch_operands = 0 : i64, tpu.core_type = #tpu.core_type<tc>, window_params = [{transform_indices = @transform_0, window_bounds = array<i64: 2, 2048, 128>}, {transform_indices = @transform_1, window_bounds = array<i64: 2048, 128>}, {transform_indices = @transform_2, window_bounds = array<i64: 2, 2048, 128>}, {pipeline_mode = #tpu.pipeline_mode<synchronous>, transform_indices = @transform_3, window_bounds = array<i64: 128, 128>}, {pipeline_mode = #tpu.pipeline_mode<synchronous>, transform_indices = @transform_4, window_bounds = array<i64: 1, 128>}, {transform_indices = @transform_5, window_bounds = array<i64: 2048, 128>}, {transform_indices = @transform_6, window_bounds = array<i64: 2048, 128>}]} {
    %get3A = arith.constant 0 : index
    %get3A_0 = arith.constant 0 : index
    %get3A_1 = arith.constant 0 : index
    %get3A_2 = vector.load %arg1[%get3A, %get3A_0, %get3A_1] : memref<2x2048x128xf32, #tpu.memory_space<vmem>>, vector<1x2048x1xf32>
    %get3A_3 = vector.shape_cast %get3A_2 : vector<1x2048x1xf32> to vector<2048x1xf32>
    %get3A_4 = arith.constant 1 : index
    %get3A_5 = arith.constant 0 : index
    %get3A_6 = arith.constant 0 : index
    %get3A_7 = vector.load %arg1[%get3A_4, %get3A_5, %get3A_6] : memref<2x2048x128xf32, #tpu.memory_space<vmem>>, vector<1x2048x1xf32>
    %get3A_8 = vector.shape_cast %get3A_7 : vector<1x2048x1xf32> to vector<2048x1xf32>
    %add3A = arith.addf %get3A_3, %get3A_8 : vector<2048x1xf32>
    %add3A_9 = arith.constant 1.000000e+00 : f32
    %add3A_10 = vector.broadcast %add3A_9 : f32 to vector<2048x1xf32>
    %add3A_11 = arith.addf %add3A, %add3A_10 : vector<2048x1xf32>
    %rsqrt3A = math.rsqrt %add3A_11 : vector<2048x1xf32>
    %get3A_12 = arith.constant 0 : index
    %get3A_13 = arith.constant 0 : index
    %get3A_14 = arith.constant 0 : index
    %get3A_15 = vector.load %arg3[%get3A_12, %get3A_13, %get3A_14] : memref<2x2048x128xf32, #tpu.memory_space<vmem>>, vector<1x2048x128xf32>
    %get3A_16 = vector.shape_cast %get3A_15 : vector<1x2048x128xf32> to vector<2048x128xf32>
    %get3A_17 = arith.constant 1 : index
    %get3A_18 = arith.constant 0 : index
    %get3A_19 = arith.constant 0 : index
    %get3A_20 = vector.load %arg3[%get3A_17, %get3A_18, %get3A_19] : memref<2x2048x128xf32, #tpu.memory_space<vmem>>, vector<1x2048x128xf32>
    %get3A_21 = vector.shape_cast %get3A_20 : vector<1x2048x128xf32> to vector<2048x128xf32>
    %add3A_22 = arith.addf %get3A_16, %get3A_21 : vector<2048x128xf32>
    %mul3A = vector.broadcast %rsqrt3A : vector<2048x1xf32> to vector<2048x128xf32>
    %mul3A_23 = arith.mulf %add3A_22, %mul3A : vector<2048x128xf32>
    %get3A_24 = arith.constant 0 : index
    %get3A_25 = arith.constant 0 : index
    %get3A_26 = vector.load %arg2[%get3A_24, %get3A_25] : memref<2048x128xf32, #tpu.memory_space<vmem>>, vector<2048x128xf32>
    %div3A = arith.constant 1.000000e+00 : f32
    %div3A_27 = vector.broadcast %div3A : f32 to vector<2048x1xf32>
    %div3A_28 = arith.divf %div3A_27, %add3A_11 : vector<2048x1xf32>
    %mul3A_29 = vector.broadcast %div3A_28 : vector<2048x1xf32> to vector<2048x128xf32>
    %mul3A_30 = arith.mulf %get3A_26, %mul3A_29 : vector<2048x128xf32>
    %add3A_31 = arith.addf %mul3A_23, %mul3A_30 : vector<2048x128xf32>
    %get3A_32 = arith.constant 0 : index
    %get3A_33 = arith.constant 0 : index
    %get3A_34 = vector.load %arg4[%get3A_32, %get3A_33] : memref<128x128xf32, #tpu.memory_space<vmem>>, vector<128x128xf32>
    %dot_general3A = arith.constant dense<0.000000e+00> : vector<2048x128xf32>
    %dot_general3A_35 = tpu.matmul %add3A_31, %get3A_34, %dot_general3A {dimension_numbers = #tpu.dot_dimension_numbers<[1], [0], [0], [1], [0, 0, 1, 1], [], []>, transpose_lhs_hint = false} : vector<2048x128xf32>, vector<128x128xf32>, vector<2048x128xf32> -> vector<2048x128xf32>
    %get3A_36 = arith.constant 0 : index
    %get3A_37 = arith.constant 0 : index
    %get3A_38 = vector.load %arg5[%get3A_36, %get3A_37] : memref<1x128xf32, #tpu.memory_space<vmem>>, vector<1x128xf32>
    %add3A_39 = vector.broadcast %get3A_38 : vector<1x128xf32> to vector<2048x128xf32>
    %add3A_40 = arith.addf %dot_general3A_35, %add3A_39 : vector<2048x128xf32>
    %max3A = arith.constant 0.000000e+00 : f32
    %max3A_41 = vector.broadcast %max3A : f32 to vector<2048x128xf32>
    %max3A_42 = arith.maximumf %add3A_40, %max3A_41 : vector<2048x128xf32>
    %swap3A = arith.constant 0 : index
    %swap3A_43 = arith.constant 0 : index
    %swap3A_44 = vector.load %arg6[%swap3A, %swap3A_43] : memref<2048x128xf32, #tpu.memory_space<vmem>>, vector<2048x128xf32>
    tpu.vector_store %arg6[%swap3A, %swap3A_43], %max3A_42 {strides = array<i32>} : memref<2048x128xf32, #tpu.memory_space<vmem>>, vector<2048x128xf32>,
    %mul3A_45 = vector.broadcast %rsqrt3A : vector<2048x1xf32> to vector<2048x128xf32>
    %mul3A_46 = arith.mulf %max3A_42, %mul3A_45 : vector<2048x128xf32>
    %swap3A_47 = arith.constant 0 : index
    %swap3A_48 = arith.constant 0 : index
    %swap3A_49 = vector.load %arg7[%swap3A_47, %swap3A_48] : memref<2048x128xf32, #tpu.memory_space<vmem>>, vector<2048x128xf32>
    tpu.vector_store %arg7[%swap3A_47, %swap3A_48], %mul3A_46 {strides = array<i32>} : memref<2048x128xf32, #tpu.memory_space<vmem>>, vector<2048x128xf32>,
    return
  }
  func.func @transform_0(%arg0: i32) -> (i32, i32, i32) {
    %c0_i32 = arith.constant 0 : i32
    %c0_i32_0 = arith.constant 0 : i32
    %c0_i32_1 = arith.constant 0 : i32
    return %c0_i32, %arg0, %c0_i32_0 : i32, i32, i32
  }
  func.func @transform_1(%arg0: i32) -> (i32, i32) {
    %c0_i32 = arith.constant 0 : i32
    %c0_i32_0 = arith.constant 0 : i32
    return %arg0, %c0_i32 : i32, i32
  }
  func.func @transform_2(%arg0: i32) -> (i32, i32, i32) {
    %c0_i32 = arith.constant 0 : i32
    %c0_i32_0 = arith.constant 0 : i32
    %c0_i32_1 = arith.constant 0 : i32
    return %c0_i32, %arg0, %c0_i32_0 : i32, i32, i32
  }
  func.func @transform_3(%arg0: i32) -> (i32, i32) {
    %c0_i32 = arith.constant 0 : i32
    %c0_i32_0 = arith.constant 0 : i32
    %c0_i32_1 = arith.constant 0 : i32
    return %c0_i32, %c0_i32_0 : i32, i32
  }
  func.func @transform_4(%arg0: i32) -> (i32, i32) {
    %c0_i32 = arith.constant 0 : i32
    %c0_i32_0 = arith.constant 0 : i32
    %c0_i32_1 = arith.constant 0 : i32
    return %c0_i32, %c0_i32_0 : i32, i32
  }
  func.func @transform_5(%arg0: i32) -> (i32, i32) {
    %c0_i32 = arith.constant 0 : i32
    %c0_i32_0 = arith.constant 0 : i32
    return %arg0, %c0_i32 : i32, i32
  }
  func.func @transform_6(%arg0: i32) -> (i32, i32) {
    %c0_i32 = arith.constant 0 : i32
    %c0_i32_0 = arith.constant 0 : i32
    return %arg0, %c0_i32 : i32, i32
  }
}

module attributes {stable_mosaic.version = 14 : i64} {
  func.func @body(%arg0: i32, %arg1: memref<2x2048x128xf32, #tpu.memory_space<vmem>>, %arg2: memref<2048x128xf32, #tpu.memory_space<vmem>>, %arg3: memref<2x2048x128xf32, #tpu.memory_space<vmem>>, %arg4: memref<128x128xf32, #tpu.memory_space<vmem>>, %arg5: memref<1x128xf32, #tpu.memory_space<vmem>>, %arg6: memref<2048x128xf32, #tpu.memory_space<vmem>>) attributes {dimension_semantics = [#tpu.dimension_semantics<arbitrary>], iteration_bounds = array<i64: 5>, scalar_prefetch = 0 : i64, scratch_operands = 0 : i64, tpu.core_type = #tpu.core_type<tc>, window_params = [{transform_indices = @transform_0, window_bounds = array<i64: 2, 2048, 128>}, {transform_indices = @transform_1, window_bounds = array<i64: 2048, 128>}, {transform_indices = @transform_2, window_bounds = array<i64: 2, 2048, 128>}, {pipeline_mode = #tpu.pipeline_mode<synchronous>, transform_indices = @transform_3, window_bounds = array<i64: 128, 128>}, {pipeline_mode = #tpu.pipeline_mode<synchronous>, transform_indices = @transform_4, window_bounds = array<i64: 1, 128>}, {transform_indices = @transform_5, window_bounds = array<i64: 2048, 128>}]} {
    %get3A = arith.constant 0 : index
    %get3A_0 = arith.constant 0 : index
    %get3A_1 = arith.constant 0 : index
    %get3A_2 = vector.load %arg1[%get3A, %get3A_0, %get3A_1] : memref<2x2048x128xf32, #tpu.memory_space<vmem>>, vector<1x2048x1xf32>
    %get3A_3 = vector.shape_cast %get3A_2 : vector<1x2048x1xf32> to vector<2048x1xf32>
    %get3A_4 = arith.constant 1 : index
    %get3A_5 = arith.constant 0 : index
    %get3A_6 = arith.constant 0 : index
    %get3A_7 = vector.load %arg1[%get3A_4, %get3A_5, %get3A_6] : memref<2x2048x128xf32, #tpu.memory_space<vmem>>, vector<1x2048x1xf32>
    %get3A_8 = vector.shape_cast %get3A_7 : vector<1x2048x1xf32> to vector<2048x1xf32>
    %add3A = arith.addf %get3A_3, %get3A_8 : vector<2048x1xf32>
    %add3A_9 = arith.constant 1.000000e+00 : f32
    %add3A_10 = vector.broadcast %add3A_9 : f32 to vector<2048x1xf32>
    %add3A_11 = arith.addf %add3A, %add3A_10 : vector<2048x1xf32>
    %rsqrt3A = math.rsqrt %add3A_11 : vector<2048x1xf32>
    %get3A_12 = arith.constant 0 : index
    %get3A_13 = arith.constant 0 : index
    %get3A_14 = arith.constant 0 : index
    %get3A_15 = vector.load %arg3[%get3A_12, %get3A_13, %get3A_14] : memref<2x2048x128xf32, #tpu.memory_space<vmem>>, vector<1x2048x128xf32>
    %get3A_16 = vector.shape_cast %get3A_15 : vector<1x2048x128xf32> to vector<2048x128xf32>
    %get3A_17 = arith.constant 1 : index
    %get3A_18 = arith.constant 0 : index
    %get3A_19 = arith.constant 0 : index
    %get3A_20 = vector.load %arg3[%get3A_17, %get3A_18, %get3A_19] : memref<2x2048x128xf32, #tpu.memory_space<vmem>>, vector<1x2048x128xf32>
    %get3A_21 = vector.shape_cast %get3A_20 : vector<1x2048x128xf32> to vector<2048x128xf32>
    %add3A_22 = arith.addf %get3A_16, %get3A_21 : vector<2048x128xf32>
    %mul3A = vector.broadcast %rsqrt3A : vector<2048x1xf32> to vector<2048x128xf32>
    %mul3A_23 = arith.mulf %add3A_22, %mul3A : vector<2048x128xf32>
    %get3A_24 = arith.constant 0 : index
    %get3A_25 = arith.constant 0 : index
    %get3A_26 = vector.load %arg2[%get3A_24, %get3A_25] : memref<2048x128xf32, #tpu.memory_space<vmem>>, vector<2048x128xf32>
    %div3A = arith.constant 1.000000e+00 : f32
    %div3A_27 = vector.broadcast %div3A : f32 to vector<2048x1xf32>
    %div3A_28 = arith.divf %div3A_27, %add3A_11 : vector<2048x1xf32>
    %mul3A_29 = vector.broadcast %div3A_28 : vector<2048x1xf32> to vector<2048x128xf32>
    %mul3A_30 = arith.mulf %get3A_26, %mul3A_29 : vector<2048x128xf32>
    %add3A_31 = arith.addf %mul3A_23, %mul3A_30 : vector<2048x128xf32>
    %get3A_32 = arith.constant 0 : index
    %get3A_33 = arith.constant 0 : index
    %get3A_34 = vector.load %arg4[%get3A_32, %get3A_33] : memref<128x128xf32, #tpu.memory_space<vmem>>, vector<128x128xf32>
    %dot_general3A = arith.constant dense<0.000000e+00> : vector<2048x128xf32>
    %dot_general3A_35 = tpu.matmul %add3A_31, %get3A_34, %dot_general3A {dimension_numbers = #tpu.dot_dimension_numbers<[1], [0], [0], [1], [0, 0, 1, 1], [], []>, transpose_lhs_hint = false} : vector<2048x128xf32>, vector<128x128xf32>, vector<2048x128xf32> -> vector<2048x128xf32>
    %get3A_36 = arith.constant 0 : index
    %get3A_37 = arith.constant 0 : index
    %get3A_38 = vector.load %arg5[%get3A_36, %get3A_37] : memref<1x128xf32, #tpu.memory_space<vmem>>, vector<1x128xf32>
    %add3A_39 = vector.broadcast %get3A_38 : vector<1x128xf32> to vector<2048x128xf32>
    %add3A_40 = arith.addf %dot_general3A_35, %add3A_39 : vector<2048x128xf32>
    %swap3A = arith.constant 0 : index
    %swap3A_41 = arith.constant 0 : index
    %swap3A_42 = vector.load %arg6[%swap3A, %swap3A_41] : memref<2048x128xf32, #tpu.memory_space<vmem>>, vector<2048x128xf32>
    tpu.vector_store %arg6[%swap3A, %swap3A_41], %add3A_40 {strides = array<i32>} : memref<2048x128xf32, #tpu.memory_space<vmem>>, vector<2048x128xf32>,
    return
  }
  func.func @transform_0(%arg0: i32) -> (i32, i32, i32) {
    %c0_i32 = arith.constant 0 : i32
    %c0_i32_0 = arith.constant 0 : i32
    %c0_i32_1 = arith.constant 0 : i32
    return %c0_i32, %arg0, %c0_i32_0 : i32, i32, i32
  }
  func.func @transform_1(%arg0: i32) -> (i32, i32) {
    %c0_i32 = arith.constant 0 : i32
    %c0_i32_0 = arith.constant 0 : i32
    return %arg0, %c0_i32 : i32, i32
  }
  func.func @transform_2(%arg0: i32) -> (i32, i32, i32) {
    %c0_i32 = arith.constant 0 : i32
    %c0_i32_0 = arith.constant 0 : i32
    %c0_i32_1 = arith.constant 0 : i32
    return %c0_i32, %arg0, %c0_i32_0 : i32, i32, i32
  }
  func.func @transform_3(%arg0: i32) -> (i32, i32) {
    %c0_i32 = arith.constant 0 : i32
    %c0_i32_0 = arith.constant 0 : i32
    %c0_i32_1 = arith.constant 0 : i32
    return %c0_i32, %c0_i32_0 : i32, i32
  }
  func.func @transform_4(%arg0: i32) -> (i32, i32) {
    %c0_i32 = arith.constant 0 : i32
    %c0_i32_0 = arith.constant 0 : i32
    %c0_i32_1 = arith.constant 0 : i32
    return %c0_i32, %c0_i32_0 : i32, i32
  }
  func.func @transform_5(%arg0: i32) -> (i32, i32) {
    %c0_i32 = arith.constant 0 : i32
    %c0_i32_0 = arith.constant 0 : i32
    return %arg0, %c0_i32 : i32, i32
  }
}

module attributes {stable_mosaic.version = 14 : i64} {
  func.func @body(%arg0: i32, %arg1: i32, %arg2: memref<2000x1xi32, #tpu.memory_space<vmem>>, %arg3: memref<2000x128xf32, #tpu.memory_space<vmem>>, %arg4: memref<2000x128xf32, #tpu.memory_space<vmem>>, %arg5: memref<2000x128xf32, #tpu.memory_space<vmem>>) attributes {dimension_semantics = [#tpu.dimension_semantics<arbitrary>, #tpu.dimension_semantics<arbitrary>], iteration_bounds = array<i64: 5, 32>, scalar_prefetch = 0 : i64, scratch_operands = 0 : i64, tpu.core_type = #tpu.core_type<tc>, window_params = [{transform_indices = @transform_0, window_bounds = array<i64: 2000, 1>}, {transform_indices = @transform_1, window_bounds = array<i64: 2000, 128>}, {transform_indices = @transform_2, window_bounds = array<i64: 2000, 128>}, {transform_indices = @transform_3, window_bounds = array<i64: 2000, 128>}]} {
    %get3A = arith.constant 0 : index
    %get3A_0 = arith.constant 0 : index
    %get3A_1 = vector.load %arg2[%get3A, %get3A_0] : memref<2000x1xi32, #tpu.memory_space<vmem>>, vector<2000x1xi32>
    %eq3A = vector.broadcast %arg1 : i32 to vector<2000x1xi32>
    %eq3A_2 = arith.cmpi eq, %get3A_1, %eq3A : vector<2000x1xi32>
    %convert_element_type3A = arith.extui %eq3A_2 : vector<2000x1xi1> to vector<2000x1xi32>
    %convert_element_type3A_3 = arith.sitofp %convert_element_type3A : vector<2000x1xi32> to vector<2000x1xf32>
    %get3A_4 = arith.constant 0 : index
    %get3A_5 = arith.constant 0 : index
    %get3A_6 = vector.load %arg4[%get3A_4, %get3A_5] : memref<2000x128xf32, #tpu.memory_space<vmem>>, vector<2000x128xf32>
    %get3A_7 = arith.constant 0 : index
    %get3A_8 = arith.constant 0 : index
    %get3A_9 = vector.load %arg3[%get3A_7, %get3A_8] : memref<2000x128xf32, #tpu.memory_space<vmem>>, vector<2000x128xf32>
    %mul3A = vector.broadcast %convert_element_type3A_3 : vector<2000x1xf32> to vector<2000x128xf32>
    %mul3A_10 = arith.mulf %get3A_9, %mul3A : vector<2000x128xf32>
    %add3A = arith.addf %get3A_6, %mul3A_10 : vector<2000x128xf32>
    %swap3A = arith.constant 0 : index
    %swap3A_11 = arith.constant 0 : index
    %swap3A_12 = vector.load %arg5[%swap3A, %swap3A_11] : memref<2000x128xf32, #tpu.memory_space<vmem>>, vector<2000x128xf32>
    tpu.vector_store %arg5[%swap3A, %swap3A_11], %add3A {strides = array<i32>} : memref<2000x128xf32, #tpu.memory_space<vmem>>, vector<2000x128xf32>,
    return
  }
  func.func @transform_0(%arg0: i32, %arg1: i32) -> (i32, i32) {
    %c0_i32 = arith.constant 0 : i32
    %c0_i32_0 = arith.constant 0 : i32
    return %arg0, %c0_i32 : i32, i32
  }
  func.func @transform_1(%arg0: i32, %arg1: i32) -> (i32, i32) {
    %c0_i32 = arith.constant 0 : i32
    %c0_i32_0 = arith.constant 0 : i32
    return %arg0, %c0_i32 : i32, i32
  }
  func.func @transform_2(%arg0: i32, %arg1: i32) -> (i32, i32) {
    %mul3A = arith.constant 5 : i32
    %mul3A_0 = arith.muli %arg1, %mul3A : i32
    %add3A = arith.addi %mul3A_0, %arg0 : i32
    %c0_i32 = arith.constant 0 : i32
    %c0_i32_1 = arith.constant 0 : i32
    return %add3A, %c0_i32 : i32, i32
  }
  func.func @transform_3(%arg0: i32, %arg1: i32) -> (i32, i32) {
    %mul3A = arith.constant 5 : i32
    %mul3A_0 = arith.muli %arg1, %mul3A : i32
    %add3A = arith.addi %mul3A_0, %arg0 : i32
    %c0_i32 = arith.constant 0 : i32
    %c0_i32_1 = arith.constant 0 : i32
    return %add3A, %c0_i32 : i32, i32
  }
}

</mosaic_0001>

<sc_bundles>
// kernel: kernel.12.cloned.1.call-start
scs
__scs_entry_jumppad:
0x0: {  	(pc) =	sbr.rel $0x88, $3  }
0x1: {  	(tag) =	ssettag $0x0;
	lr =	simm.s32 $0x1  }
0x2: {  	[smem:$0x3F9A] =	sst lr;
	_ =	strace $0xD0000000  }
0x3: {  	_ = 	snop  }
0x4: {  	_ = 	snop  }
0x5: {  	_ = 	snop  }
0x6: {  	_ = 	snop  }
0x7: {  	_ = 	snop  }
__scs_overlays_trampoline_lowered:
0x8: {  	[smem:$0x3FA9] =	sst s0  }
0x9: {  	[smem:$0x3FAA] =	sst s1  }
0xa: {  	[smem:$0x3FAB] =	sst s2  }
0xb: {  	[smem:$0x3FAC] =	sst s3  }
0xc: {  	[smem:$0x3FAD] =	sst s4  }
0xd: {  	[smem:$0x3FAE] =	sst s5  }
0xe: {  	[smem:$0x3FAF] =	sst s6  }
0xf: {  	[smem:$0x3FB0] =	sst s7  }
0x10: {  	[smem:$0x3FB1] =	sst s8  }
0x11: {  	[smem:$0x3FB2] =	sst s9;
	s0 =	simm.s32 @!p0 $0x0  }
0x12: {  	s1 =	sld [smem:$0x3F98];
	s0 =	simm.s32 @p0 $0x1  }
0x13: {  	[smem:$0x3FB3] =	sst s0;
	s0 =	simm.s32 @!p1 $0x0  }
0x14: {  	s2 =	sld [smem:$0x3F97];
	s0 =	simm.s32 @p1 $0x1  }
0x15: {  	[smem:$0x3FB4] =	sst s0;
	s0 =	simm.s32 @!p2 $0x0  }
0x16: {  	s3 =	sld [smem:$0x3FDB];
	s0 =	simm.s32 @p2 $0x1  }
0x17: {  	s4 =	simm.s32 $0x1BF5;
	[smem:$0x3FB6] =	sst s0  }
0x18: {  	s0 =	sld [smem:$0x3F99];
	_ =	swait.ge [sflag:s4], $0x0  }
0x19: {  	s7 =	sld [smem:$0x3F9A]  }
0x1a: {  	s8 =	sadd.s32 $0xFFFFE003, lr  }
0x1b: {  	s9 =	sadd.s32 $0xFFFFFEF7, lr;
	s5 =	simm.s32 $0xFFFFFFFF;
	p2 =	slt.u32 s8, $0xFFFFF086  }
0x1c: {  	p1 =	slt.u32 s9, $0xF7A;
	s5 =	simm.s32 @!p2 $0x0  }
0x1d: {  	s5 =	simm.s32 @p1 $0x1;
	p0 =	seq.s32 s7, s2  }
0x1e: {  	s7 =	smul.u32 @!p0 $0xF7A, s2;
	p2 =	seq.s32 @!p0 s5, $0x0  }
0x1f: {  	s9 =	smul.u32 $0xF7A, s1;
	s8 =	simm.s32 @!p0 $0x1BF5;
	p2 =	por !p2, p0  }
0x20: {  	[sflag:s8] =	ssyncset.s32 @!p0 $0xFFFFF086;
	s6 =	sadd.s32 @!p0 s3, s7;
	s7 =	simm.s32 @!p0 $0x108  }
0x21: {  	s3 =	sadd.s32 s3, s9;
	s6 =	sadd.s32 @!p0 $0x88, s6;
	s7 =	simm.s32 @p2 $0x1082  }
0x22: {  	[simem:s7], [sflag:s8] =	dma.local @!p0 [hbm:s6], $0xF7A  }
0x23: {  	s9 =	sor.u32 $0xD0000000, s2;
	s6 =	simm.s32 $0x108;
	_ =	swait.ge @!p0 [sflag:s8], $0x0  }
0x24: {  	s3 =	sadd.s32 $0x88, s3;
	s6 =	simm.s32 @!p1 $0x1082;
	[sflag:s4] =	ssyncset.s32 $0xFFFFF086  }
0x25: {  	[simem:s6], [sflag:s4] =	dma.local [hbm:s3], $0xF7A  }
0x26: {  	[smem:$0x3F9A] =	sst s1;
	(tag) =	ssettag s2;
	_ =	strace s9  }
0x27: {  	s1 =	sld [smem:$0x3FAA]  }
0x28: {  	s2 =	sld [smem:$0x3FAB]  }
0x29: {  	s4 =	sld [smem:$0x3FAD]  }
0x2a: {  	p0 =	seq.s32 s5, $0x0;
	s5 =	sld [smem:$0x3FAE]  }
0x2b: {  	s6 =	sld [smem:$0x3FAF]  }
0x2c: {  	s7 =	sld [smem:$0x3FB0]  }
0x2d: {  	s3 =	simm.s32 $0x108;
	s8 =	sld [smem:$0x3FB1]  }
0x2e: {  	s3 =	simm.s32 @!p0 $0x1082;
	s9 =	sld [smem:$0x3FB2]  }
0x2f: {  	lr =	sadd.s32 s0, s3;
	s0 =	sld [smem:$0x3FA9]  }
0x30: {  	s3 =	sld [smem:$0x3FAC]  }
0x31: {  	[smem:$0x3FB5] =	sst s10  }
0x32: {  	s10 =	sld [smem:$0x3FB3];
	_ =	sdelay $0x3  }
0x33: {  	p0 =	seq.s32 s10, $0x1;
	s10 =	sld [smem:$0x3FB5];
	_ =	sdelay $0x3  }
0x34: {  	[smem:$0x3FB5] =	sst s10  }
0x35: {  	s10 =	sld [smem:$0x3FB4];
	_ =	sdelay $0x3  }
0x36: {  	p1 =	seq.s32 s10, $0x1;
	s10 =	sld [smem:$0x3FB5];
	_ =	sdelay $0x3  }
0x37: {  	[smem:$0x3FB5] =	sst s10  }
0x38: {  	s10 =	sld [smem:$0x3FB6]  }
0x39: {  	_ = 	snop;
	(pc) =	sbr.ind lr, $3  }
0x3a: {  	_ = 	snop  }
0x3b: {  	_ = 	snop  }
0x3c: {  	p2 =	seq.s32 s10, $0x1;
	s10 =	sld [smem:$0x3FB5]  }
0x3d: {  	_ =	shalt  }
0x3e: {  	_ =	shalt  }
0x3f: {  	_ =	shalt  }
0x40: {  	_ =	shalt  }
0x41: {  	_ =	shalt  }
0x42: {  	_ =	shalt  }
0x43: {  	_ =	shalt  }
0x44: {  	_ =	shalt  }
0x45: {  	_ =	shalt  }
0x46: {  	_ =	shalt  }
0x47: {  	_ =	shalt  }
0x48: {  	_ =	shalt  }
0x49: {  	_ =	shalt  }
0x4a: {  	_ =	shalt  }
0x4b: {  	_ =	shalt  }
0x4c: {  	_ =	shalt  }
0x4d: {  	_ =	shalt  }
0x4e: {  	_ =	shalt  }
0x4f: {  	_ =	shalt  }
0x50: {  	_ =	shalt  }
0x51: {  	_ =	shalt  }
0x52: {  	_ =	shalt  }
0x53: {  	_ =	shalt  }
0x54: {  	_ =	shalt  }
0x55: {  	_ =	shalt  }
0x56: {  	_ =	shalt  }
0x57: {  	_ =	shalt  }
0x58: {  	_ =	shalt  }
0x59: {  	_ =	shalt  }
0x5a: {  	_ =	shalt  }
0x5b: {  	_ =	shalt  }
0x5c: {  	_ =	shalt  }
0x5d: {  	_ =	shalt  }
0x5e: {  	_ =	shalt  }
0x5f: {  	_ =	shalt  }
0x60: {  	_ =	shalt  }
0x61: {  	_ =	shalt  }
0x62: {  	_ =	shalt  }
0x63: {  	_ =	shalt  }
0x64: {  	_ =	shalt  }
0x65: {  	_ =	shalt  }
0x66: {  	_ =	shalt  }
0x67: {  	_ =	shalt  }
0x68: {  	_ =	shalt  }
0x69: {  	_ =	shalt  }
0x6a: {  	_ =	shalt  }
0x6b: {  	_ =	shalt  }
0x6c: {  	_ =	shalt  }
0x6d: {  	_ =	shalt  }
0x6e: {  	_ =	shalt  }
0x6f: {  	_ =	shalt  }
0x70: {  	_ =	shalt  }
0x71: {  	_ =	shalt  }
0x72: {  	_ =	shalt  }
0x73: {  	_ =	shalt  }
0x74: {  	_ =	shalt  }
0x75: {  	_ =	shalt  }
0x76: {  	_ =	shalt  }
0x77: {  	_ =	shalt  }
0x78: {  	_ =	shalt  }
0x79: {  	_ =	shalt  }
0x7a: {  	_ =	shalt  }
0x7b: {  	_ =	shalt  }
0x7c: {  	_ =	shalt  }
0x7d: {  	_ =	shalt  }
0x7e: {  	_ =	shalt  }
0x7f: {  	_ =	shalt  }
0x80: {  	_ =	shalt  }
0x81: {  	_ =	shalt  }
0x82: {  	_ =	shalt  }
0x83: {  	_ =	shalt  }
0x84: {  	_ =	shalt  }
0x85: {  	_ =	shalt  }
0x86: {  	_ =	shalt  }
0x87: {  	_ =	shalt  }
.Lfunc_end0:
.L_simem_size_0:
called_computation.1_lowered:
.L_overlay_start_0:
0x88: {  	s2 =	sld [smem:$0x3FD9]  }
0x89: {  	s3 =	sld [smem:$0x3FFE];
	_ =	sdelay $0x1  }
0x8a: {  	s1 =	srdreg.scid  }
0x8b: {  	s0 =	sand.u32 $0x1, s1  }
0x8c: {  	s17 =	sshll.u32 s0, $0xA;
	s2 =	sadd.s32 s3, s2  }
0x8d: {  	s2 =	sadd.s32 s2, s17  }
0x8e: {  	[smem:$0x3FC1] =	sst s2  }
0x8f: {  	_ = 	snop  }
0x90: {  	s2 =	sld [smem:$0x3FD0];
	(tm) =	ssettm $0x1  }
0x91: {  	s18 =	sld [smem:$0x3FFB];
	_ =	sdelay $0x3  }
0x92: {  	_ =	strace s18  }
0x93: {  	s3 =	sld [smem:$0x3FFC];
	_ =	sdelay $0x3  }
0x94: {  	_ =	strace s3  }
0x95: {  	s3 =	sld [smem:$0x3FFD];
	_ =	sdelay $0x3  }
0x96: {  	_ =	strace s3  }
0x97: {  	_ =	strace $0x8FFFFFFF  }
0x98: {  	s19 =	sld [smem:$0x3FDB];
	_ =	sdelay $0x1  }
0x99: {  	s4 =	simm.s32 $_scs_section_size  }
0x9a: {  	s5 =	simm.s32 $_size__tile_overlayer_lowered;
	s6 =	simm.s32 $_tile_overlayer_lowered  }
0x9b: {  	s22 =	simm.s32 $0x1BFF;
	s21 =	sshll.u32 s6, $0x1;
	s3 =	sadd.s32 s4, s19  }
0x9c: {  	s7 =	simm.s32 $0x0;
	s20 =	sshll.u32 s5, $0x1;
	s5 =	sadd.s32 s21, s3  }
0x9d: {  	[timem:s7], [sflag:s22] =	dma.local [hbm:s5], s20  }
0x9e: {  	_ =	swait.ge [sflag:s22], s20  }
0x9f: {  	s4 =	ssub.s32 $0x0, s20;
	[sflag:s22] =	ssyncset.done $0x0  }
0xa0: {  	[sflag:s22] =	ssyncadd.s32 s4;
	_ =	sdelay $0x1  }
0xa1: {  	s23 =	simm.s32 $0x1B8B  }
0xa2: {  	_ =	swait.ge [sflag:s23], $0x1  }
0xa3: {  	[sflag:s23] =	ssyncset.done $0x0  }
0xa4: {  	s25 =	simm.s32 $0x1B8E;
	s24 =	sld [smem:$0x3FFE];
	[sflag:s23] =	ssyncadd.s32 $0xFFFFFFFF  }
0xa5: {  	s26 =	simm.s32 $execute0_lowered;
	[smem:$0x3FD2] =	sst s25  }
0xa6: {  	s5 =	sshll.u32 s26, $0x1;
	_ =	strace $0x80000049;
	[dreg:$0x1] =	wrdreg $0xFFFFFFFF  }
0xa7: {  	s28 =	simm.s32 $_size_execute0_lowered;
	s3 =	sadd.s32 s3, s5;
	[dreg:$0x0] =	wrdreg $0x0  }
0xa8: {  	s5 =	sshll.u32 s28, $0x1;
	[dreg:$0x2] =	wrdreg s3  }
0xa9: {  	[dreg:$0x3] =	wrdreg s5  }
0xaa: {  	[dreg:$0x4] =	wrdreg $0xC0  }
0xab: {  	_ =	task [dreg:s7], $0x5FFFF  }
0xac: {  	[dreg:$0x1] =	wrdreg $0xFFFFFFFF  }
0xad: {  	[dreg:$0x0] =	wrdreg $0x60  }
0xae: {  	[dreg:$0x2] =	wrdreg s24  }
0xaf: {  	[dreg:$0x3] =	wrdreg s2  }
0xb0: {  	[dreg:$0x4] =	wrdreg $0x41000  }
0xb1: {  	[dreg:$0x5] =	wrdreg $0x9  }
0xb2: {  	_ =	task.clear_ibuf [dreg:s7], $0x6FFFF;
	_ =	strace $0x90000049  }
0xb3: {  	s29 =	simm.s32 $0x9;
	_ =	strace $0x8000004B  }
0xb4: {  	_ =	swait.ge [sflag:s29], $0x1  }
0xb5: {  	[sflag:s29] =	ssyncadd.s32 $0xFFFFFFFF  }
0xb6: {  	_ =	strace $0x9000004B  }
0xb7: {  	_ =	sfence  }
0xb8: {  	s30 =	sld [smem:$0x0];
	_ =	sdelay $0x2  }
0xb9: {  	s31 =	sshll.u32 s1, $0xD;
	s1 =	sshrl.u32 s1, $0x2  }
0xba: {  	s3 =	sand.u32 $0x4000, s31;
	s1 =	sadd.s32 s1, s30  }
0xbb: {  	s0 =	sor.u32 s3, s0;
	s1 =	sshll.u32 s1, $0x11  }
0xbc: {  	s0 =	sor.u32 s1, s0  }
0xbd: {  	s0 =	sadd.s32 $0x8F2B, s0  }
0xbe: {  	[sflag:s0] =	ssyncadd.remote.s32 $0x1  }
0xbf: {  	_ =	sfence.sel $0xFFFF  }
0xc0: {  	[dreg:$0x0] =	wrdreg $0xFFFFFFFF;
	(pc) =	sbr.abs _section_cstart, $3  }
0xc1: {  	[dreg:$0x1] =	wrdreg $0xFFFFFFFF  }
0xc2: {  	_ =	task.clear_ibuf [dreg:s7], $0x2FFFF;
	_ =	strace $0x9FFFFFFF  }
0xc3: {  	(tm) =	ssettm $0x7FFFFFFF  }
tec
execute0_lowered:
.L_overlay_start_1:
0x0: {  	(tag) =	ssettag $0x1  }
0x1: {  	s5 =	rddreg [dreg:$0x0]  }
0x2: {  	s7 =	rddreg [dreg:$0x1];
	s3 =	srdreg.scid  }
0x3: {  	s1 =	rddreg [dreg:$0x2];
	s6 =	sand.u32 $0x1, s3  }
0x4: {  	s3 =	stileid.u32;
	s8 =	smul.u32 $0x4F00, s6  }
0x5: {  	s0 =	rddreg [dreg:$0x3];
	s2 =	simm.s32 $0x0;
	s14 =	smul.u32 $0x2800, s3  }
0x6: {  	s13 =	simm.s32 $0x100;
	[smem:$0x7FF] =	sst s2;
	s10 =	smul.u32 $0x50000, s3  }
0x7: {  	s4 =	sadd.s32 $0x8F200, s5;
	_ =	strace $0x8000004A;
	s12 =	smul.u32 $0x28000, s6  }
0x8: {  	s9 =	ssub.s32 $0x2, s6;
	s29 =	smul.u32 $0x4F0, s3;
	s31 =	sshll.u32 s3, $0x6  }
0x9: {  	s11 =	sshrl.u32 s9, $0x1;
	s6 =	sor.u32 $0x1C01, s31;
	s8 =	sadd.s32 s8, s5  }
0xa: {  	s5 =	sadd.s32 s14, s5;
	s9 =	ssub.s32 s9, s11;
	s28 =	sshrl.u32 s10, $0x2  }
0xb: {  	s15 =	sadd.s32 s7, s12;
	s11 =	simm.s32 $0x1;
	s12 =	simm.s32 $0x80  }
0xc: {  	s30 =	sadd.s32 s28, s1;
	s5 =	sadd.s32 $0xD400, s5;
	s10 =	sadd.s32 s29, s8  }
0xd: {  	s7 =	smax.u32 s9, $0x1;
	s14 =	sadd.s32 s14, s15;
	s15 =	simm.s32 $0x0  }
0xe: {  	s8 =	sadd.s32 $0x2E00, s10;
	s9 =	sadd.s32 $0x85400, s10;
	s10 =	sshrl.u32 s30, $0x3  }
.LBB2_1:
0xf: {  	[spmem:s10], [sflag:s6] =	dma.local [hbm:s5], $0x2800  }
0x10: {  	_ =	swait.ge [sflag:s11], $0x2800  }
0x11: {  	[sflag:s11] =	ssyncset.done $0x0  }
0x12: {  	[sflag:s11] =	ssyncadd.s32 $0xFFFFD800  }
0x13: {  	s16 =	sadd.s32 $0x0, s9;
	[bflag:$0x0] =	sbarrier.arrive $0xFFFF  }
0x14: {  	[tilespmem:s2], [sflag:$0x1] =	stream.linear.gather [hbm4b:s16+s2], $0x80, $0x38;
	[tilespmem:$0x18100] =	vst v63  }
0x15: {  	_ =	swait.ge [sflag:s11], $0x80  }
0x16: {  	[sflag:s11] =	ssyncset.done $0x0  }
0x17: {  	s31 =	sadd.s32 $0x0, s8;
	[sflag:s11] =	ssyncadd.s32 $0xFFFFFF80  }
0x18: {  	[tilespmem:s12], [sflag:$0x1] =	stream.linear.gather [hbm4b:s31+s2], $0x80, $0x38;
	[tilespmem:$0x18100] =	vst v63  }
0x19: {  	_ =	swait.ge [sflag:s11], $0x80  }
0x1a: {  	[sflag:s11] =	ssyncset.done $0x0  }
0x1b: {  	[sflag:s11] =	ssyncadd.s32 $0xFFFFFF80  }
0x1c: {  	[tilespmem:s13], [sflag:$0x1] =	stream.indirect.gather [hbm4b:s4+s12], $0x80, s2, s12, $0xb8;
	[tilespmem:$0x18100] =	vst v63  }
0x1d: {  	_ =	swait.ge [sflag:s11], $0x4000  }
0x1e: {  	[sflag:s11] =	ssyncset.done $0x0  }
0x1f: {  	[sflag:s11] =	ssyncadd.s32 $0xFFFFC000  }
0x20: {  	[spmem:s1] =	stream.indirect.scatter.add.f32 [tilespmem:s13], [sflag:$0x1], $0x80, s12, s12, $0xb8;
	[tilespmem:$0x18100] =	vst v63  }
0x21: {  	_ =	swait.ge [sflag:s11], $0x4000  }
0x22: {  	s17 =	simm.s32 $0x20;
	s16 =	simm.s32 $0x10;
	[sflag:s11] =	ssyncset.done $0x0  }
.LBB2_2:
0x23: {  	s18 =	sadd.s32 s16, s9  }
0x24: {  	[sflag:s11] =	ssyncadd.s32 $0xFFFFC000;
	s19 =	smov.u32 s17;
	s20 =	sadd.s32 $0x10, s17  }
0x25: {  	[tilespmem:s2], [sflag:$0x1] =	stream.linear.gather [hbm4b:s18+s2], $0x80, $0x38;
	[tilespmem:$0x18100] =	vst v63  }
0x26: {  	p0 =	sne.s32 s17, $0x4E0;
	_ =	swait.ge [sflag:s11], $0x80  }
0x27: {  	[sflag:s11] =	ssyncset.done $0x0  }
0x28: {  	s17 =	sadd.s32 s16, s8;
	s16 =	smov.u32 s19;
	[sflag:s11] =	ssyncadd.s32 $0xFFFFFF80  }
0x29: {  	[tilespmem:s12], [sflag:$0x1] =	stream.linear.gather [hbm4b:s17+s2], $0x80, $0x38;
	[tilespmem:$0x18100] =	vst v63  }
0x2a: {  	_ =	swait.ge [sflag:s11], $0x80  }
0x2b: {  	[sflag:s11] =	ssyncset.done $0x0  }
0x2c: {  	[sflag:s11] =	ssyncadd.s32 $0xFFFFFF80  }
0x2d: {  	[tilespmem:s13], [sflag:$0x1] =	stream.indirect.gather [hbm4b:s4+s12], $0x80, s2, s12, $0xb8;
	[tilespmem:$0x18100] =	vst v63  }
0x2e: {  	_ =	swait.ge [sflag:s11], $0x4000  }
.Ltmp0:
0x2f: {  	[sflag:s11] =	ssyncset.done $0x0;
	(pc) =	sbr.rel @p0 .LBB2_2-.Ltmp0, $4  }
0x30: {  	[sflag:s11] =	ssyncadd.s32 $0xFFFFC000  }
0x31: {  	[spmem:s1] =	stream.indirect.scatter.add.f32 [tilespmem:s13], [sflag:$0x1], $0x80, s12, s12, $0xb8;
	[tilespmem:$0x18100] =	vst v63  }
0x32: {  	_ =	swait.ge [sflag:s11], $0x4000  }
0x33: {  	s17 =	smov.u32 s20;
	[sflag:s11] =	ssyncset.done $0x0  }
0x34: {  	s17 =	sadd.s32 s16, s9;
	[sflag:s11] =	ssyncadd.s32 $0xFFFFC000  }
0x35: {  	[tilespmem:s2], [sflag:$0x1] =	stream.linear.gather [hbm4b:s17+s2], $0x80, $0x38;
	[tilespmem:$0x18100] =	vst v63  }
0x36: {  	_ =	swait.ge [sflag:s11], $0x80  }
0x37: {  	[sflag:s11] =	ssyncset.done $0x0  }
0x38: {  	s31 =	sadd.s32 s16, s8;
	[sflag:s11] =	ssyncadd.s32 $0xFFFFFF80  }
0x39: {  	[tilespmem:s12], [sflag:$0x1] =	stream.linear.gather [hbm4b:s31+s2], $0x80, $0x38;
	[tilespmem:$0x18100] =	vst v63  }
0x3a: {  	_ =	swait.ge [sflag:s11], $0x80  }
0x3b: {  	[sflag:s11] =	ssyncset.done $0x0  }
0x3c: {  	[sflag:s11] =	ssyncadd.s32 $0xFFFFFF80  }
0x3d: {  	[tilespmem:s13], [sflag:$0x1] =	stream.indirect.gather [hbm4b:s4+s12], $0x80, s2, s12, $0xb8;
	[tilespmem:$0x18100] =	vst v63  }
0x3e: {  	_ =	swait.ge [sflag:s11], $0x4000  }
0x3f: {  	[sflag:s11] =	ssyncset.done $0x0  }
0x40: {  	[sflag:s11] =	ssyncadd.s32 $0xFFFFC000  }
0x41: {  	[spmem:s1] =	stream.indirect.scatter.add.f32 [tilespmem:s13], [sflag:$0x1], $0x80, s12, s12, $0xb8;
	[tilespmem:$0x18100] =	vst v63  }
0x42: {  	_ =	swait.ge [sflag:s11], $0x4000  }
0x43: {  	s15 =	sadd.s32 $0x1, s15;
	[sflag:s11] =	ssyncset.done $0x0  }
0x44: {  	p0 =	sne.s32 s15, s7;
	[sflag:s11] =	ssyncadd.s32 $0xFFFFC000  }
.Ltmp1:
0x45: {  	[bflag:$0x0] =	sbarrier.arrive $0xFFFF;
	(pc) =	sbr.rel @p0 .LBB2_1-.Ltmp1, $4  }
0x46: {  	[hbm:s14], [sflag:s6] =	dma.local [spmem:s10], $0x2800  }
0x47: {  	_ =	swait.ge [sflag:s11], $0x2800  }
0x48: {  	[sflag:s11] =	ssyncset.done $0x0  }
0x49: {  	[sflag:s11] =	ssyncadd.s32 $0xFFFFD800  }
0x4a: {  	_ =	sfence.sel $0x180000  }
0x4b: {  	[bflag:$0x0] =	sbarrier.arrive $0xFFFF  }
0x4c: {  	p0 =	sne.s32 s3, $0x0;
	_ =	strace $0x9000004A  }
0x4d: {  	s0 =	sadd.s32 @!p0 $0x100000, s0;
	[bflag:$0x2] =	sbarrier.arrive $0xFFFF  }
0x4e: {  	[sflag:s0] =	ssyncadd.tile.s32 @!p0 $0x1;
	_ =	shalt  }
.Lfunc_end2:
_tile_overlayer_lowered:
.L_overlay_start_2:
0x4f: {  	(tag) =	ssettag $0x2  }
0x50: {  	s0 =	rddreg [dreg:$0x0];
	s2 =	stileid.u32  }
0x51: {  	s1 =	rddreg [dreg:$0x1];
	p0 =	sne.s32 s2, $0x0  }
0x52: {  	s3 =	rddreg [dreg:$0x2];
	[bflag:$0x3] =	sbarrier.arrive $0xFFFF;
	s2 =	simm.s32 @!p0 $0x1C01  }
0x53: {  	[timem:s3], [sflag:s2] =	dma.local @!p0 [hbm:s0], s1  }
0x54: {  	s0 =	simm.s32 @!p0 $0x1  }
0x55: {  	_ =	swait.ge @!p0 [sflag:s0], s1  }
0x56: {  	s1 =	ssub.s32 @!p0 $0x0, s1;
	[sflag:s0] =	ssyncset.done @!p0 $0x0  }
0x57: {  	[sflag:s0] =	ssyncadd.s32 @!p0 s1  }
0x58: {  	[bflag:$0x3] =	sbarrier.arrive $0xFFFF  }
0x59: {  	_ =	shalt  }

// kernel: kernel.15.cloned.1.call-start
scs
__scs_entry_jumppad:
0x0: {  	(pc) =	sbr.rel $0x88, $3  }
0x1: {  	(tag) =	ssettag $0x0;
	lr =	simm.s32 $0x1  }
0x2: {  	[smem:$0x3F9A] =	sst lr;
	_ =	strace $0xD0000000  }
0x3: {  	_ = 	snop  }
0x4: {  	_ = 	snop  }
0x5: {  	_ = 	snop  }
0x6: {  	_ = 	snop  }
0x7: {  	_ = 	snop  }
__scs_overlays_trampoline_lowered:
0x8: {  	[smem:$0x3FA9] =	sst s0  }
0x9: {  	[smem:$0x3FAA] =	sst s1  }
0xa: {  	[smem:$0x3FAB] =	sst s2  }
0xb: {  	[smem:$0x3FAC] =	sst s3  }
0xc: {  	[smem:$0x3FAD] =	sst s4  }
0xd: {  	[smem:$0x3FAE] =	sst s5  }
0xe: {  	[smem:$0x3FAF] =	sst s6  }
0xf: {  	[smem:$0x3FB0] =	sst s7  }
0x10: {  	[smem:$0x3FB1] =	sst s8  }
0x11: {  	[smem:$0x3FB2] =	sst s9;
	s0 =	simm.s32 @!p0 $0x0  }
0x12: {  	s1 =	sld [smem:$0x3F98];
	s0 =	simm.s32 @p0 $0x1  }
0x13: {  	[smem:$0x3FB3] =	sst s0;
	s0 =	simm.s32 @!p1 $0x0  }
0x14: {  	s2 =	sld [smem:$0x3F97];
	s0 =	simm.s32 @p1 $0x1  }
0x15: {  	[smem:$0x3FB4] =	sst s0;
	s0 =	simm.s32 @!p2 $0x0  }
0x16: {  	s3 =	sld [smem:$0x3FDB];
	s0 =	simm.s32 @p2 $0x1  }
0x17: {  	s4 =	simm.s32 $0x1BF5;
	[smem:$0x3FB6] =	sst s0  }
0x18: {  	s0 =	sld [smem:$0x3F99];
	_ =	swait.ge [sflag:s4], $0x0  }
0x19: {  	s7 =	sld [smem:$0x3F9A]  }
0x1a: {  	s8 =	sadd.s32 $0xFFFFE003, lr  }
0x1b: {  	s9 =	sadd.s32 $0xFFFFFEF7, lr;
	s5 =	simm.s32 $0xFFFFFFFF;
	p2 =	slt.u32 s8, $0xFFFFF086  }
0x1c: {  	p1 =	slt.u32 s9, $0xF7A;
	s5 =	simm.s32 @!p2 $0x0  }
0x1d: {  	s5 =	simm.s32 @p1 $0x1;
	p0 =	seq.s32 s7, s2  }
0x1e: {  	s7 =	smul.u32 @!p0 $0xF7A, s2;
	p2 =	seq.s32 @!p0 s5, $0x0  }
0x1f: {  	s9 =	smul.u32 $0xF7A, s1;
	s8 =	simm.s32 @!p0 $0x1BF5;
	p2 =	por !p2, p0  }
0x20: {  	[sflag:s8] =	ssyncset.s32 @!p0 $0xFFFFF086;
	s6 =	sadd.s32 @!p0 s3, s7;
	s7 =	simm.s32 @!p0 $0x108  }
0x21: {  	s3 =	sadd.s32 s3, s9;
	s6 =	sadd.s32 @!p0 $0x88, s6;
	s7 =	simm.s32 @p2 $0x1082  }
0x22: {  	[simem:s7], [sflag:s8] =	dma.local @!p0 [hbm:s6], $0xF7A  }
0x23: {  	s9 =	sor.u32 $0xD0000000, s2;
	s6 =	simm.s32 $0x108;
	_ =	swait.ge @!p0 [sflag:s8], $0x0  }
0x24: {  	s3 =	sadd.s32 $0x88, s3;
	s6 =	simm.s32 @!p1 $0x1082;
	[sflag:s4] =	ssyncset.s32 $0xFFFFF086  }
0x25: {  	[simem:s6], [sflag:s4] =	dma.local [hbm:s3], $0xF7A  }
0x26: {  	[smem:$0x3F9A] =	sst s1;
	(tag) =	ssettag s2;
	_ =	strace s9  }
0x27: {  	s1 =	sld [smem:$0x3FAA]  }
0x28: {  	s2 =	sld [smem:$0x3FAB]  }
0x29: {  	s4 =	sld [smem:$0x3FAD]  }
0x2a: {  	p0 =	seq.s32 s5, $0x0;
	s5 =	sld [smem:$0x3FAE]  }
0x2b: {  	s6 =	sld [smem:$0x3FAF]  }
0x2c: {  	s7 =	sld [smem:$0x3FB0]  }
0x2d: {  	s3 =	simm.s32 $0x108;
	s8 =	sld [smem:$0x3FB1]  }
0x2e: {  	s3 =	simm.s32 @!p0 $0x1082;
	s9 =	sld [smem:$0x3FB2]  }
0x2f: {  	lr =	sadd.s32 s0, s3;
	s0 =	sld [smem:$0x3FA9]  }
0x30: {  	s3 =	sld [smem:$0x3FAC]  }
0x31: {  	[smem:$0x3FB5] =	sst s10  }
0x32: {  	s10 =	sld [smem:$0x3FB3];
	_ =	sdelay $0x3  }
0x33: {  	p0 =	seq.s32 s10, $0x1;
	s10 =	sld [smem:$0x3FB5];
	_ =	sdelay $0x3  }
0x34: {  	[smem:$0x3FB5] =	sst s10  }
0x35: {  	s10 =	sld [smem:$0x3FB4];
	_ =	sdelay $0x3  }
0x36: {  	p1 =	seq.s32 s10, $0x1;
	s10 =	sld [smem:$0x3FB5];
	_ =	sdelay $0x3  }
0x37: {  	[smem:$0x3FB5] =	sst s10  }
0x38: {  	s10 =	sld [smem:$0x3FB6]  }
0x39: {  	_ = 	snop;
	(pc) =	sbr.ind lr, $3  }
0x3a: {  	_ = 	snop  }
0x3b: {  	_ = 	snop  }
0x3c: {  	p2 =	seq.s32 s10, $0x1;
	s10 =	sld [smem:$0x3FB5]  }
0x3d: {  	_ =	shalt  }
0x3e: {  	_ =	shalt  }
0x3f: {  	_ =	shalt  }
0x40: {  	_ =	shalt  }
0x41: {  	_ =	shalt  }
0x42: {  	_ =	shalt  }
0x43: {  	_ =	shalt  }
0x44: {  	_ =	shalt  }
0x45: {  	_ =	shalt  }
0x46: {  	_ =	shalt  }
0x47: {  	_ =	shalt  }
0x48: {  	_ =	shalt  }
0x49: {  	_ =	shalt  }
0x4a: {  	_ =	shalt  }
0x4b: {  	_ =	shalt  }
0x4c: {  	_ =	shalt  }
0x4d: {  	_ =	shalt  }
0x4e: {  	_ =	shalt  }
0x4f: {  	_ =	shalt  }
0x50: {  	_ =	shalt  }
0x51: {  	_ =	shalt  }
0x52: {  	_ =	shalt  }
0x53: {  	_ =	shalt  }
0x54: {  	_ =	shalt  }
0x55: {  	_ =	shalt  }
0x56: {  	_ =	shalt  }
0x57: {  	_ =	shalt  }
0x58: {  	_ =	shalt  }
0x59: {  	_ =	shalt  }
0x5a: {  	_ =	shalt  }
0x5b: {  	_ =	shalt  }
0x5c: {  	_ =	shalt  }
0x5d: {  	_ =	shalt  }
0x5e: {  	_ =	shalt  }
0x5f: {  	_ =	shalt  }
0x60: {  	_ =	shalt  }
0x61: {  	_ =	shalt  }
0x62: {  	_ =	shalt  }
0x63: {  	_ =	shalt  }
0x64: {  	_ =	shalt  }
0x65: {  	_ =	shalt  }
0x66: {  	_ =	shalt  }
0x67: {  	_ =	shalt  }
0x68: {  	_ =	shalt  }
0x69: {  	_ =	shalt  }
0x6a: {  	_ =	shalt  }
0x6b: {  	_ =	shalt  }
0x6c: {  	_ =	shalt  }
0x6d: {  	_ =	shalt  }
0x6e: {  	_ =	shalt  }
0x6f: {  	_ =	shalt  }
0x70: {  	_ =	shalt  }
0x71: {  	_ =	shalt  }
0x72: {  	_ =	shalt  }
0x73: {  	_ =	shalt  }
0x74: {  	_ =	shalt  }
0x75: {  	_ =	shalt  }
0x76: {  	_ =	shalt  }
0x77: {  	_ =	shalt  }
0x78: {  	_ =	shalt  }
0x79: {  	_ =	shalt  }
0x7a: {  	_ =	shalt  }
0x7b: {  	_ =	shalt  }
0x7c: {  	_ =	shalt  }
0x7d: {  	_ =	shalt  }
0x7e: {  	_ =	shalt  }
0x7f: {  	_ =	shalt  }
0x80: {  	_ =	shalt  }
0x81: {  	_ =	shalt  }
0x82: {  	_ =	shalt  }
0x83: {  	_ =	shalt  }
0x84: {  	_ =	shalt  }
0x85: {  	_ =	shalt  }
0x86: {  	_ =	shalt  }
0x87: {  	_ =	shalt  }
.Lfunc_end0:
.L_simem_size_0:
called_computation.2_lowered:
.L_overlay_start_0:
0x88: {  	s2 =	sld [smem:$0x3FD9]  }
0x89: {  	s3 =	sld [smem:$0x3FFE];
	_ =	sdelay $0x1  }
0x8a: {  	s1 =	srdreg.scid  }
0x8b: {  	s0 =	sand.u32 $0x1, s1  }
0x8c: {  	s17 =	sshll.u32 s0, $0xA;
	s2 =	sadd.s32 s3, s2  }
0x8d: {  	s2 =	sadd.s32 s2, s17  }
0x8e: {  	[smem:$0x3FC1] =	sst s2  }
0x8f: {  	_ = 	snop  }
0x90: {  	s2 =	sld [smem:$0x3FD0];
	(tm) =	ssettm $0x1  }
0x91: {  	s18 =	sld [smem:$0x3FFB];
	_ =	sdelay $0x3  }
0x92: {  	_ =	strace s18  }
0x93: {  	s3 =	sld [smem:$0x3FFC];
	_ =	sdelay $0x3  }
0x94: {  	_ =	strace s3  }
0x95: {  	s3 =	sld [smem:$0x3FFD];
	_ =	sdelay $0x3  }
0x96: {  	_ =	strace s3  }
0x97: {  	_ =	strace $0x8FFFFFFF  }
0x98: {  	s19 =	sld [smem:$0x3FDB];
	_ =	sdelay $0x1  }
0x99: {  	s4 =	simm.s32 $_scs_section_size  }
0x9a: {  	s5 =	simm.s32 $_size__tile_overlayer_lowered;
	s6 =	simm.s32 $_tile_overlayer_lowered  }
0x9b: {  	s22 =	simm.s32 $0x1BFF;
	s21 =	sshll.u32 s6, $0x1;
	s3 =	sadd.s32 s4, s19  }
0x9c: {  	s7 =	simm.s32 $0x0;
	s20 =	sshll.u32 s5, $0x1;
	s5 =	sadd.s32 s21, s3  }
0x9d: {  	[timem:s7], [sflag:s22] =	dma.local [hbm:s5], s20  }
0x9e: {  	_ =	swait.ge [sflag:s22], s20  }
0x9f: {  	s4 =	ssub.s32 $0x0, s20;
	[sflag:s22] =	ssyncset.done $0x0  }
0xa0: {  	[sflag:s22] =	ssyncadd.s32 s4;
	_ =	sdelay $0x1  }
0xa1: {  	s23 =	simm.s32 $0x1B8B  }
0xa2: {  	_ =	swait.ge [sflag:s23], $0x1  }
0xa3: {  	[sflag:s23] =	ssyncset.done $0x0  }
0xa4: {  	s25 =	simm.s32 $0x1B8E;
	s24 =	sld [smem:$0x3FFE];
	[sflag:s23] =	ssyncadd.s32 $0xFFFFFFFF  }
0xa5: {  	s26 =	simm.s32 $execute0_lowered;
	[smem:$0x3FD2] =	sst s25  }
0xa6: {  	s5 =	sshll.u32 s26, $0x1;
	_ =	strace $0x8000004C;
	[dreg:$0x1] =	wrdreg $0xFFFFFFFF  }
0xa7: {  	s28 =	simm.s32 $_size_execute0_lowered;
	s3 =	sadd.s32 s3, s5;
	[dreg:$0x0] =	wrdreg $0x0  }
0xa8: {  	s5 =	sshll.u32 s28, $0x1;
	[dreg:$0x2] =	wrdreg s3  }
0xa9: {  	[dreg:$0x3] =	wrdreg s5  }
0xaa: {  	[dreg:$0x4] =	wrdreg $0xC0  }
0xab: {  	_ =	task [dreg:s7], $0x5FFFF  }
0xac: {  	[dreg:$0x1] =	wrdreg $0xFFFFFFFF  }
0xad: {  	[dreg:$0x0] =	wrdreg $0x60  }
0xae: {  	[dreg:$0x2] =	wrdreg s24  }
0xaf: {  	[dreg:$0x3] =	wrdreg s2  }
0xb0: {  	[dreg:$0x4] =	wrdreg $0x41000  }
0xb1: {  	[dreg:$0x5] =	wrdreg $0x9  }
0xb2: {  	_ =	task.clear_ibuf [dreg:s7], $0x6FFFF;
	_ =	strace $0x9000004C  }
0xb3: {  	s29 =	simm.s32 $0x9;
	_ =	strace $0x8000004E  }
0xb4: {  	_ =	swait.ge [sflag:s29], $0x1  }
0xb5: {  	[sflag:s29] =	ssyncadd.s32 $0xFFFFFFFF  }
0xb6: {  	_ =	strace $0x9000004E  }
0xb7: {  	_ =	sfence  }
0xb8: {  	s30 =	sld [smem:$0x0];
	_ =	sdelay $0x2  }
0xb9: {  	s31 =	sshll.u32 s1, $0xD;
	s1 =	sshrl.u32 s1, $0x2  }
0xba: {  	s3 =	sand.u32 $0x4000, s31;
	s1 =	sadd.s32 s1, s30  }
0xbb: {  	s0 =	sor.u32 s3, s0;
	s1 =	sshll.u32 s1, $0x11  }
0xbc: {  	s0 =	sor.u32 s1, s0  }
0xbd: {  	s0 =	sadd.s32 $0x8F2B, s0  }
0xbe: {  	[sflag:s0] =	ssyncadd.remote.s32 $0x1  }
0xbf: {  	_ =	sfence.sel $0xFFFF  }
0xc0: {  	[dreg:$0x0] =	wrdreg $0xFFFFFFFF;
	(pc) =	sbr.abs _section_cstart, $3  }
0xc1: {  	[dreg:$0x1] =	wrdreg $0xFFFFFFFF  }
0xc2: {  	_ =	task.clear_ibuf [dreg:s7], $0x2FFFF;
	_ =	strace $0x9FFFFFFF  }
0xc3: {  	(tm) =	ssettm $0x7FFFFFFF  }
tec
execute0_lowered:
.L_overlay_start_1:
0x0: {  	(tag) =	ssettag $0x1  }
0x1: {  	s5 =	rddreg [dreg:$0x0]  }
0x2: {  	s7 =	rddreg [dreg:$0x1];
	s3 =	srdreg.scid  }
0x3: {  	s1 =	rddreg [dreg:$0x2];
	s6 =	sand.u32 $0x1, s3  }
0x4: {  	s3 =	stileid.u32;
	s8 =	smul.u32 $0x4F00, s6  }
0x5: {  	s0 =	rddreg [dreg:$0x3];
	s2 =	simm.s32 $0x0;
	s14 =	smul.u32 $0x2800, s3  }
0x6: {  	s13 =	simm.s32 $0x100;
	[smem:$0x7FF] =	sst s2;
	s10 =	smul.u32 $0x50000, s3  }
0x7: {  	s4 =	sadd.s32 $0x8F200, s5;
	_ =	strace $0x8000004D;
	s12 =	smul.u32 $0x28000, s6  }
0x8: {  	s9 =	ssub.s32 $0x2, s6;
	s29 =	smul.u32 $0x4F0, s3;
	s31 =	sshll.u32 s3, $0x6  }
0x9: {  	s11 =	sshrl.u32 s9, $0x1;
	s6 =	sor.u32 $0x1C01, s31;
	s8 =	sadd.s32 s8, s5  }
0xa: {  	s5 =	sadd.s32 s14, s5;
	s9 =	ssub.s32 s9, s11;
	s28 =	sshrl.u32 s10, $0x2  }
0xb: {  	s15 =	sadd.s32 s7, s12;
	s11 =	simm.s32 $0x1;
	s12 =	simm.s32 $0x80  }
0xc: {  	s30 =	sadd.s32 s28, s1;
	s5 =	sadd.s32 $0xD400, s5;
	s10 =	sadd.s32 s29, s8  }
0xd: {  	s7 =	smax.u32 s9, $0x1;
	s14 =	sadd.s32 s14, s15;
	s15 =	simm.s32 $0x0  }
0xe: {  	s8 =	sadd.s32 $0x2E00, s10;
	s9 =	sadd.s32 $0x85400, s10;
	s10 =	sshrl.u32 s30, $0x3  }
.LBB2_1:
0xf: {  	[spmem:s10], [sflag:s6] =	dma.local [hbm:s5], $0x2800  }
0x10: {  	_ =	swait.ge [sflag:s11], $0x2800  }
0x11: {  	[sflag:s11] =	ssyncset.done $0x0  }
0x12: {  	[sflag:s11] =	ssyncadd.s32 $0xFFFFD800  }
0x13: {  	s16 =	sadd.s32 $0x0, s9;
	[bflag:$0x0] =	sbarrier.arrive $0xFFFF  }
0x14: {  	[tilespmem:s2], [sflag:$0x1] =	stream.linear.gather [hbm4b:s16+s2], $0x80, $0x38;
	[tilespmem:$0x18100] =	vst v63  }
0x15: {  	_ =	swait.ge [sflag:s11], $0x80  }
0x16: {  	[sflag:s11] =	ssyncset.done $0x0  }
0x17: {  	s31 =	sadd.s32 $0x0, s8;
	[sflag:s11] =	ssyncadd.s32 $0xFFFFFF80  }
0x18: {  	[tilespmem:s12], [sflag:$0x1] =	stream.linear.gather [hbm4b:s31+s2], $0x80, $0x38;
	[tilespmem:$0x18100] =	vst v63  }
0x19: {  	_ =	swait.ge [sflag:s11], $0x80  }
0x1a: {  	[sflag:s11] =	ssyncset.done $0x0  }
0x1b: {  	[sflag:s11] =	ssyncadd.s32 $0xFFFFFF80  }
0x1c: {  	[tilespmem:s13], [sflag:$0x1] =	stream.indirect.gather [hbm4b:s4+s12], $0x80, s2, s12, $0xb8;
	[tilespmem:$0x18100] =	vst v63  }
0x1d: {  	_ =	swait.ge [sflag:s11], $0x4000  }
0x1e: {  	[sflag:s11] =	ssyncset.done $0x0  }
0x1f: {  	[sflag:s11] =	ssyncadd.s32 $0xFFFFC000  }
0x20: {  	[spmem:s1] =	stream.indirect.scatter.add.f32 [tilespmem:s13], [sflag:$0x1], $0x80, s12, s12, $0xb8;
	[tilespmem:$0x18100] =	vst v63  }
0x21: {  	_ =	swait.ge [sflag:s11], $0x4000  }
0x22: {  	s17 =	simm.s32 $0x20;
	s16 =	simm.s32 $0x10;
	[sflag:s11] =	ssyncset.done $0x0  }
.LBB2_2:
0x23: {  	s18 =	sadd.s32 s16, s9  }
0x24: {  	[sflag:s11] =	ssyncadd.s32 $0xFFFFC000;
	s19 =	smov.u32 s17;
	s20 =	sadd.s32 $0x10, s17  }
0x25: {  	[tilespmem:s2], [sflag:$0x1] =	stream.linear.gather [hbm4b:s18+s2], $0x80, $0x38;
	[tilespmem:$0x18100] =	vst v63  }
0x26: {  	p0 =	sne.s32 s17, $0x4E0;
	_ =	swait.ge [sflag:s11], $0x80  }
0x27: {  	[sflag:s11] =	ssyncset.done $0x0  }
0x28: {  	s17 =	sadd.s32 s16, s8;
	s16 =	smov.u32 s19;
	[sflag:s11] =	ssyncadd.s32 $0xFFFFFF80  }
0x29: {  	[tilespmem:s12], [sflag:$0x1] =	stream.linear.gather [hbm4b:s17+s2], $0x80, $0x38;
	[tilespmem:$0x18100] =	vst v63  }
0x2a: {  	_ =	swait.ge [sflag:s11], $0x80  }
0x2b: {  	[sflag:s11] =	ssyncset.done $0x0  }
0x2c: {  	[sflag:s11] =	ssyncadd.s32 $0xFFFFFF80  }
0x2d: {  	[tilespmem:s13], [sflag:$0x1] =	stream.indirect.gather [hbm4b:s4+s12], $0x80, s2, s12, $0xb8;
	[tilespmem:$0x18100] =	vst v63  }
0x2e: {  	_ =	swait.ge [sflag:s11], $0x4000  }
.Ltmp0:
0x2f: {  	[sflag:s11] =	ssyncset.done $0x0;
	(pc) =	sbr.rel @p0 .LBB2_2-.Ltmp0, $4  }
0x30: {  	[sflag:s11] =	ssyncadd.s32 $0xFFFFC000  }
0x31: {  	[spmem:s1] =	stream.indirect.scatter.add.f32 [tilespmem:s13], [sflag:$0x1], $0x80, s12, s12, $0xb8;
	[tilespmem:$0x18100] =	vst v63  }
0x32: {  	_ =	swait.ge [sflag:s11], $0x4000  }
0x33: {  	s17 =	smov.u32 s20;
	[sflag:s11] =	ssyncset.done $0x0  }
0x34: {  	s17 =	sadd.s32 s16, s9;
	[sflag:s11] =	ssyncadd.s32 $0xFFFFC000  }
0x35: {  	[tilespmem:s2], [sflag:$0x1] =	stream.linear.gather [hbm4b:s17+s2], $0x80, $0x38;
	[tilespmem:$0x18100] =	vst v63  }
0x36: {  	_ =	swait.ge [sflag:s11], $0x80  }
0x37: {  	[sflag:s11] =	ssyncset.done $0x0  }
0x38: {  	s31 =	sadd.s32 s16, s8;
	[sflag:s11] =	ssyncadd.s32 $0xFFFFFF80  }
0x39: {  	[tilespmem:s12], [sflag:$0x1] =	stream.linear.gather [hbm4b:s31+s2], $0x80, $0x38;
	[tilespmem:$0x18100] =	vst v63  }
0x3a: {  	_ =	swait.ge [sflag:s11], $0x80  }
0x3b: {  	[sflag:s11] =	ssyncset.done $0x0  }
0x3c: {  	[sflag:s11] =	ssyncadd.s32 $0xFFFFFF80  }
0x3d: {  	[tilespmem:s13], [sflag:$0x1] =	stream.indirect.gather [hbm4b:s4+s12], $0x80, s2, s12, $0xb8;
	[tilespmem:$0x18100] =	vst v63  }
0x3e: {  	_ =	swait.ge [sflag:s11], $0x4000  }
0x3f: {  	[sflag:s11] =	ssyncset.done $0x0  }
0x40: {  	[sflag:s11] =	ssyncadd.s32 $0xFFFFC000  }
0x41: {  	[spmem:s1] =	stream.indirect.scatter.add.f32 [tilespmem:s13], [sflag:$0x1], $0x80, s12, s12, $0xb8;
	[tilespmem:$0x18100] =	vst v63  }
0x42: {  	_ =	swait.ge [sflag:s11], $0x4000  }
0x43: {  	s15 =	sadd.s32 $0x1, s15;
	[sflag:s11] =	ssyncset.done $0x0  }
0x44: {  	p0 =	sne.s32 s15, s7;
	[sflag:s11] =	ssyncadd.s32 $0xFFFFC000  }
.Ltmp1:
0x45: {  	[bflag:$0x0] =	sbarrier.arrive $0xFFFF;
	(pc) =	sbr.rel @p0 .LBB2_1-.Ltmp1, $4  }
0x46: {  	[hbm:s14], [sflag:s6] =	dma.local [spmem:s10], $0x2800  }
0x47: {  	_ =	swait.ge [sflag:s11], $0x2800  }
0x48: {  	[sflag:s11] =	ssyncset.done $0x0  }
0x49: {  	[sflag:s11] =	ssyncadd.s32 $0xFFFFD800  }
0x4a: {  	_ =	sfence.sel $0x180000  }
0x4b: {  	[bflag:$0x0] =	sbarrier.arrive $0xFFFF  }
0x4c: {  	p0 =	sne.s32 s3, $0x0;
	_ =	strace $0x9000004D  }
0x4d: {  	s0 =	sadd.s32 @!p0 $0x100000, s0;
	[bflag:$0x2] =	sbarrier.arrive $0xFFFF  }
0x4e: {  	[sflag:s0] =	ssyncadd.tile.s32 @!p0 $0x1;
	_ =	shalt  }
.Lfunc_end2:
_tile_overlayer_lowered:
.L_overlay_start_2:
0x4f: {  	(tag) =	ssettag $0x2  }
0x50: {  	s0 =	rddreg [dreg:$0x0];
	s2 =	stileid.u32  }
0x51: {  	s1 =	rddreg [dreg:$0x1];
	p0 =	sne.s32 s2, $0x0  }
0x52: {  	s3 =	rddreg [dreg:$0x2];
	[bflag:$0x3] =	sbarrier.arrive $0xFFFF;
	s2 =	simm.s32 @!p0 $0x1C01  }
0x53: {  	[timem:s3], [sflag:s2] =	dma.local @!p0 [hbm:s0], s1  }
0x54: {  	s0 =	simm.s32 @!p0 $0x1  }
0x55: {  	_ =	swait.ge @!p0 [sflag:s0], s1  }
0x56: {  	s1 =	ssub.s32 @!p0 $0x0, s1;
	[sflag:s0] =	ssyncset.done @!p0 $0x0  }
0x57: {  	[sflag:s0] =	ssyncadd.s32 @!p0 s1  }
0x58: {  	[bflag:$0x3] =	sbarrier.arrive $0xFFFF  }
0x59: {  	_ =	shalt  }

// kernel: kernel.9.cloned.1.call-start
scs
__scs_entry_jumppad:
0x0: {  	(pc) =	sbr.rel $0x88, $3  }
0x1: {  	(tag) =	ssettag $0x0;
	lr =	simm.s32 $0x1  }
0x2: {  	[smem:$0x3F9A] =	sst lr;
	_ =	strace $0xD0000000  }
0x3: {  	_ = 	snop  }
0x4: {  	_ = 	snop  }
0x5: {  	_ = 	snop  }
0x6: {  	_ = 	snop  }
0x7: {  	_ = 	snop  }
__scs_overlays_trampoline_lowered:
0x8: {  	[smem:$0x3FA9] =	sst s0  }
0x9: {  	[smem:$0x3FAA] =	sst s1  }
0xa: {  	[smem:$0x3FAB] =	sst s2  }
0xb: {  	[smem:$0x3FAC] =	sst s3  }
0xc: {  	[smem:$0x3FAD] =	sst s4  }
0xd: {  	[smem:$0x3FAE] =	sst s5  }
0xe: {  	[smem:$0x3FAF] =	sst s6  }
0xf: {  	[smem:$0x3FB0] =	sst s7  }
0x10: {  	[smem:$0x3FB1] =	sst s8  }
0x11: {  	[smem:$0x3FB2] =	sst s9;
	s0 =	simm.s32 @!p0 $0x0  }
0x12: {  	s1 =	sld [smem:$0x3F98];
	s0 =	simm.s32 @p0 $0x1  }
0x13: {  	[smem:$0x3FB3] =	sst s0;
	s0 =	simm.s32 @!p1 $0x0  }
0x14: {  	s2 =	sld [smem:$0x3F97];
	s0 =	simm.s32 @p1 $0x1  }
0x15: {  	[smem:$0x3FB4] =	sst s0;
	s0 =	simm.s32 @!p2 $0x0  }
0x16: {  	s3 =	sld [smem:$0x3FDB];
	s0 =	simm.s32 @p2 $0x1  }
0x17: {  	s4 =	simm.s32 $0x1BF5;
	[smem:$0x3FB6] =	sst s0  }
0x18: {  	s0 =	sld [smem:$0x3F99];
	_ =	swait.ge [sflag:s4], $0x0  }
0x19: {  	s7 =	sld [smem:$0x3F9A]  }
0x1a: {  	s8 =	sadd.s32 $0xFFFFE003, lr  }
0x1b: {  	s9 =	sadd.s32 $0xFFFFFEF7, lr;
	s5 =	simm.s32 $0xFFFFFFFF;
	p2 =	slt.u32 s8, $0xFFFFF086  }
0x1c: {  	p1 =	slt.u32 s9, $0xF7A;
	s5 =	simm.s32 @!p2 $0x0  }
0x1d: {  	s5 =	simm.s32 @p1 $0x1;
	p0 =	seq.s32 s7, s2  }
0x1e: {  	s7 =	smul.u32 @!p0 $0xF7A, s2;
	p2 =	seq.s32 @!p0 s5, $0x0  }
0x1f: {  	s9 =	smul.u32 $0xF7A, s1;
	s8 =	simm.s32 @!p0 $0x1BF5;
	p2 =	por !p2, p0  }
0x20: {  	[sflag:s8] =	ssyncset.s32 @!p0 $0xFFFFF086;
	s6 =	sadd.s32 @!p0 s3, s7;
	s7 =	simm.s32 @!p0 $0x108  }
0x21: {  	s3 =	sadd.s32 s3, s9;
	s6 =	sadd.s32 @!p0 $0x88, s6;
	s7 =	simm.s32 @p2 $0x1082  }
0x22: {  	[simem:s7], [sflag:s8] =	dma.local @!p0 [hbm:s6], $0xF7A  }
0x23: {  	s9 =	sor.u32 $0xD0000000, s2;
	s6 =	simm.s32 $0x108;
	_ =	swait.ge @!p0 [sflag:s8], $0x0  }
0x24: {  	s3 =	sadd.s32 $0x88, s3;
	s6 =	simm.s32 @!p1 $0x1082;
	[sflag:s4] =	ssyncset.s32 $0xFFFFF086  }
0x25: {  	[simem:s6], [sflag:s4] =	dma.local [hbm:s3], $0xF7A  }
0x26: {  	[smem:$0x3F9A] =	sst s1;
	(tag) =	ssettag s2;
	_ =	strace s9  }
0x27: {  	s1 =	sld [smem:$0x3FAA]  }
0x28: {  	s2 =	sld [smem:$0x3FAB]  }
0x29: {  	s4 =	sld [smem:$0x3FAD]  }
0x2a: {  	p0 =	seq.s32 s5, $0x0;
	s5 =	sld [smem:$0x3FAE]  }
0x2b: {  	s6 =	sld [smem:$0x3FAF]  }
0x2c: {  	s7 =	sld [smem:$0x3FB0]  }
0x2d: {  	s3 =	simm.s32 $0x108;
	s8 =	sld [smem:$0x3FB1]  }
0x2e: {  	s3 =	simm.s32 @!p0 $0x1082;
	s9 =	sld [smem:$0x3FB2]  }
0x2f: {  	lr =	sadd.s32 s0, s3;
	s0 =	sld [smem:$0x3FA9]  }
0x30: {  	s3 =	sld [smem:$0x3FAC]  }
0x31: {  	[smem:$0x3FB5] =	sst s10  }
0x32: {  	s10 =	sld [smem:$0x3FB3];
	_ =	sdelay $0x3  }
0x33: {  	p0 =	seq.s32 s10, $0x1;
	s10 =	sld [smem:$0x3FB5];
	_ =	sdelay $0x3  }
0x34: {  	[smem:$0x3FB5] =	sst s10  }
0x35: {  	s10 =	sld [smem:$0x3FB4];
	_ =	sdelay $0x3  }
0x36: {  	p1 =	seq.s32 s10, $0x1;
	s10 =	sld [smem:$0x3FB5];
	_ =	sdelay $0x3  }
0x37: {  	[smem:$0x3FB5] =	sst s10  }
0x38: {  	s10 =	sld [smem:$0x3FB6]  }
0x39: {  	_ = 	snop;
	(pc) =	sbr.ind lr, $3  }
0x3a: {  	_ = 	snop  }
0x3b: {  	_ = 	snop  }
0x3c: {  	p2 =	seq.s32 s10, $0x1;
	s10 =	sld [smem:$0x3FB5]  }
0x3d: {  	_ =	shalt  }
0x3e: {  	_ =	shalt  }
0x3f: {  	_ =	shalt  }
0x40: {  	_ =	shalt  }
0x41: {  	_ =	shalt  }
0x42: {  	_ =	shalt  }
0x43: {  	_ =	shalt  }
0x44: {  	_ =	shalt  }
0x45: {  	_ =	shalt  }
0x46: {  	_ =	shalt  }
0x47: {  	_ =	shalt  }
0x48: {  	_ =	shalt  }
0x49: {  	_ =	shalt  }
0x4a: {  	_ =	shalt  }
0x4b: {  	_ =	shalt  }
0x4c: {  	_ =	shalt  }
0x4d: {  	_ =	shalt  }
0x4e: {  	_ =	shalt  }
0x4f: {  	_ =	shalt  }
0x50: {  	_ =	shalt  }
0x51: {  	_ =	shalt  }
0x52: {  	_ =	shalt  }
0x53: {  	_ =	shalt  }
0x54: {  	_ =	shalt  }
0x55: {  	_ =	shalt  }
0x56: {  	_ =	shalt  }
0x57: {  	_ =	shalt  }
0x58: {  	_ =	shalt  }
0x59: {  	_ =	shalt  }
0x5a: {  	_ =	shalt  }
0x5b: {  	_ =	shalt  }
0x5c: {  	_ =	shalt  }
0x5d: {  	_ =	shalt  }
0x5e: {  	_ =	shalt  }
0x5f: {  	_ =	shalt  }
0x60: {  	_ =	shalt  }
0x61: {  	_ =	shalt  }
0x62: {  	_ =	shalt  }
0x63: {  	_ =	shalt  }
0x64: {  	_ =	shalt  }
0x65: {  	_ =	shalt  }
0x66: {  	_ =	shalt  }
0x67: {  	_ =	shalt  }
0x68: {  	_ =	shalt  }
0x69: {  	_ =	shalt  }
0x6a: {  	_ =	shalt  }
0x6b: {  	_ =	shalt  }
0x6c: {  	_ =	shalt  }
0x6d: {  	_ =	shalt  }
0x6e: {  	_ =	shalt  }
0x6f: {  	_ =	shalt  }
0x70: {  	_ =	shalt  }
0x71: {  	_ =	shalt  }
0x72: {  	_ =	shalt  }
0x73: {  	_ =	shalt  }
0x74: {  	_ =	shalt  }
0x75: {  	_ =	shalt  }
0x76: {  	_ =	shalt  }
0x77: {  	_ =	shalt  }
0x78: {  	_ =	shalt  }
0x79: {  	_ =	shalt  }
0x7a: {  	_ =	shalt  }
0x7b: {  	_ =	shalt  }
0x7c: {  	_ =	shalt  }
0x7d: {  	_ =	shalt  }
0x7e: {  	_ =	shalt  }
0x7f: {  	_ =	shalt  }
0x80: {  	_ =	shalt  }
0x81: {  	_ =	shalt  }
0x82: {  	_ =	shalt  }
0x83: {  	_ =	shalt  }
0x84: {  	_ =	shalt  }
0x85: {  	_ =	shalt  }
0x86: {  	_ =	shalt  }
0x87: {  	_ =	shalt  }
.Lfunc_end0:
.L_simem_size_0:
called_computation_lowered:
.L_overlay_start_0:
0x88: {  	s2 =	sld [smem:$0x3FD9]  }
0x89: {  	s3 =	sld [smem:$0x3FFE];
	_ =	sdelay $0x1  }
0x8a: {  	s1 =	srdreg.scid  }
0x8b: {  	s0 =	sand.u32 $0x1, s1  }
0x8c: {  	s17 =	sshll.u32 s0, $0xA;
	s2 =	sadd.s32 s3, s2  }
0x8d: {  	s2 =	sadd.s32 s2, s17  }
0x8e: {  	[smem:$0x3FC1] =	sst s2  }
0x8f: {  	_ = 	snop  }
0x90: {  	s2 =	sld [smem:$0x3FC9]  }
0x91: {  	s18 =	sld [smem:$0x3FD0];
	(tm) =	ssettm $0x1  }
0x92: {  	s4 =	sld [smem:$0x3FFB];
	_ =	sdelay $0x3  }
0x93: {  	_ =	strace s4  }
0x94: {  	s4 =	sld [smem:$0x3FFC];
	_ =	sdelay $0x3  }
0x95: {  	_ =	strace s4  }
0x96: {  	s4 =	sld [smem:$0x3FFD];
	_ =	sdelay $0x3  }
0x97: {  	_ =	strace s4  }
0x98: {  	_ =	strace $0x8FFFFFFF  }
0x99: {  	s19 =	sld [smem:$0x3FDB];
	_ =	sdelay $0x1  }
0x9a: {  	s5 =	simm.s32 $_scs_section_size  }
0x9b: {  	s6 =	simm.s32 $_size__tile_overlayer_lowered;
	s7 =	simm.s32 $_tile_overlayer_lowered  }
0x9c: {  	s22 =	simm.s32 $0x1BFF;
	s21 =	sshll.u32 s7, $0x1;
	s4 =	sadd.s32 s5, s19  }
0x9d: {  	s8 =	simm.s32 $0x0;
	s20 =	sshll.u32 s6, $0x1;
	s6 =	sadd.s32 s21, s4  }
0x9e: {  	[timem:s8], [sflag:s22] =	dma.local [hbm:s6], s20  }
0x9f: {  	_ =	swait.ge [sflag:s22], s20  }
0xa0: {  	s5 =	ssub.s32 $0x0, s20;
	[sflag:s22] =	ssyncset.done $0x0  }
0xa1: {  	[sflag:s22] =	ssyncadd.s32 s5;
	_ =	sdelay $0x1  }
0xa2: {  	s23 =	simm.s32 $0x1B8B  }
0xa3: {  	_ =	swait.ge [sflag:s23], $0x1  }
0xa4: {  	[sflag:s23] =	ssyncset.done $0x0  }
0xa5: {  	s25 =	simm.s32 $0x1B8E;
	s24 =	sld [smem:$0x3FFE];
	[sflag:s23] =	ssyncadd.s32 $0xFFFFFFFF  }
0xa6: {  	s26 =	simm.s32 $execute0_lowered;
	[smem:$0x3FD2] =	sst s25  }
0xa7: {  	s6 =	sshll.u32 s26, $0x1;
	_ =	strace $0x80000046;
	[dreg:$0x1] =	wrdreg $0xFFFFFFFF  }
0xa8: {  	s28 =	simm.s32 $_size_execute0_lowered;
	s4 =	sadd.s32 s4, s6;
	[dreg:$0x0] =	wrdreg $0x0  }
0xa9: {  	s6 =	sshll.u32 s28, $0x1;
	[dreg:$0x2] =	wrdreg s4  }
0xaa: {  	[dreg:$0x3] =	wrdreg s6  }
0xab: {  	[dreg:$0x4] =	wrdreg $0xC0  }
0xac: {  	_ =	task [dreg:s8], $0x5FFFF  }
0xad: {  	[dreg:$0x1] =	wrdreg $0xFFFFFFFF  }
0xae: {  	[dreg:$0x0] =	wrdreg $0x60  }
0xaf: {  	[dreg:$0x2] =	wrdreg s2  }
0xb0: {  	[dreg:$0x3] =	wrdreg s24  }
0xb1: {  	[dreg:$0x4] =	wrdreg s18  }
0xb2: {  	[dreg:$0x5] =	wrdreg $0x61000  }
0xb3: {  	[dreg:$0x6] =	wrdreg $0x9  }
0xb4: {  	_ =	task.clear_ibuf [dreg:s8], $0x7FFFF;
	_ =	strace $0x90000046  }
0xb5: {  	s29 =	simm.s32 $0x9;
	_ =	strace $0x80000048  }
0xb6: {  	_ =	swait.ge [sflag:s29], $0x1  }
0xb7: {  	[sflag:s29] =	ssyncadd.s32 $0xFFFFFFFF  }
0xb8: {  	_ =	strace $0x90000048  }
0xb9: {  	_ =	sfence  }
0xba: {  	s30 =	sld [smem:$0x0];
	_ =	sdelay $0x2  }
0xbb: {  	s31 =	sshll.u32 s1, $0xD;
	s1 =	sshrl.u32 s1, $0x2  }
0xbc: {  	s3 =	sand.u32 $0x4000, s31;
	s1 =	sadd.s32 s1, s30  }
0xbd: {  	s0 =	sor.u32 s3, s0;
	s1 =	sshll.u32 s1, $0x11  }
0xbe: {  	s0 =	sor.u32 s1, s0  }
0xbf: {  	s0 =	sadd.s32 $0x8F2B, s0  }
0xc0: {  	[sflag:s0] =	ssyncadd.remote.s32 $0x1  }
0xc1: {  	_ =	sfence.sel $0xFFFF  }
0xc2: {  	[dreg:$0x0] =	wrdreg $0xFFFFFFFF;
	(pc) =	sbr.abs _section_cstart, $3  }
0xc3: {  	[dreg:$0x1] =	wrdreg $0xFFFFFFFF  }
0xc4: {  	_ =	task.clear_ibuf [dreg:s8], $0x2FFFF;
	_ =	strace $0x9FFFFFFF  }
0xc5: {  	(tm) =	ssettm $0x7FFFFFFF  }
tec
execute0_lowered:
.L_overlay_start_1:
0x0: {  	(tag) =	ssettag $0x1  }
0x1: {  	s1 =	rddreg [dreg:$0x0]  }
0x2: {  	s6 =	rddreg [dreg:$0x1]  }
0x3: {  	s19 =	rddreg [dreg:$0x2]  }
0x4: {  	s2 =	rddreg [dreg:$0x3]  }
0x5: {  	s3 =	srdreg.scid;
	s0 =	stileid.u32  }
0x6: {  	s4 =	simm.s32 $0x0;
	s28 =	simm.s32 $0x0;
	s24 =	smul.u32 $0x2800, s0  }
0x7: {  	s7 =	sand.u32 $0x1, s3;
	[smem:$0x7FF] =	sst s4;
	s12 =	smul.u32 $0x50000, s0  }
0x8: {  	s18 =	sadd.s32 $0x2800, s6;
	s21 =	sshll.u32 s0, $0x6;
	s5 =	smul.u32 $0x4F00, s7  }
0x9: {  	_ =	strace $0x80000047;
	s9 =	smul.u32 $0x28000, s7;
	s10 =	ssub.s32 $0x2, s7  }
0xa: {  	s7 =	sshll.u32 s7, $0x4;
	s8 =	sadd.s32 s24, s6;
	s11 =	sshrl.u32 s10, $0x1  }
0xb: {  	s15 =	sor.u32 s0, s7;
	s17 =	sshrl.u32 s12, $0x2;
	s20 =	sadd.s32 s5, s6  }
0xc: {  	s5 =	sadd.s32 $0xCC00, s6;
	s9 =	sadd.s32 s9, s6;
	s10 =	ssub.s32 s10, s11  }
0xd: {  	s16 =	smul.u32 $0x140, s15;
	s6 =	sadd.s32 s17, s2;
	s7 =	sadd.s32 $0xD400, s8  }
0xe: {  	s8 =	sor.u32 $0x1C01, s21;
	s11 =	smul.u32 $0x1400, s15;
	s25 =	sadd.s32 $0x35400, s9  }
0xf: {  	s9 =	smax.u32 s10, $0x1;
	s22 =	sshrl.u32 s16, $0x3;
	s23 =	sadd.s32 $0x40, s16  }
0x10: {  	s11 =	sadd.s32 s19, s11;
	s26 =	sadd.s32 $0x80, s16;
	s21 =	sadd.s32 $0xC0, s16  }
0x11: {  	s24 =	sadd.s32 s24, s25;
	s25 =	simm.s32 $0x80;
	s10 =	sadd.s32 s18, s22  }
0x12: {  	s13 =	sshrl.u32 s23, $0x3;
	s14 =	sshll.u32 s23, $0x4;
	s15 =	sshrl.u32 s26, $0x3  }
0x13: {  	s17 =	sshll.u32 s26, $0x4;
	s29 =	sshrl.u32 s21, $0x3;
	s21 =	sshll.u32 s21, $0x4  }
0x14: {  	s22 =	sadd.s32 $0x100, s16;
	s23 =	smul.u32 $0x4F0, s0;
	s26 =	simm.s32 $0x2080  }
0x15: {  	s12 =	sadd.s32 s18, s13;
	s13 =	sadd.s32 s19, s14;
	s14 =	sadd.s32 s18, s15  }
0x16: {  	s15 =	sadd.s32 s19, s17;
	s16 =	sadd.s32 s18, s29;
	s17 =	sadd.s32 s19, s21  }
0x17: {  	s30 =	sshrl.u32 s22, $0x3;
	s31 =	sshll.u32 s22, $0x4;
	s21 =	simm.s32 $0x1  }
0x18: {  	s22 =	simm.s32 $0x2100;
	s18 =	sadd.s32 s18, s30;
	s20 =	sadd.s32 s23, s20  }
0x19: {  	s19 =	sadd.s32 s19, s31;
	s23 =	simm.s32 $0x40;
	s20 =	sadd.s32 $0x2E00, s20  }
.LBB2_1:
0x1a: {  	s29 =	sshrl.u32 s6, $0x3  }
0x1b: {  	[spmem:s29], [sflag:s8] =	dma.local [hbm:s7], $0x2800  }
0x1c: {  	_ =	swait.ge [sflag:s21], $0x2800  }
0x1d: {  	[sflag:s21] =	ssyncset.done $0x0  }
0x1e: {  	[sflag:s21] =	ssyncadd.s32 $0xFFFFD800  }
0x1f: {  	[tilespmem:s22], [sflag:$0x1] =	stream.linear.gather [hbm4b:s5+s4], $0x4000, $0x38;
	[tilespmem:$0x1A100] =	vst v63  }
0x20: {  	_ =	swait.ge [sflag:s21], $0x4000  }
0x21: {  	[sflag:s21] =	ssyncset.done $0x0  }
0x22: {  	[sflag:s21] =	ssyncadd.s32 $0xFFFFC000  }
0x23: {  	[bflag:$0x0] =	sbarrier.arrive $0xFFFF  }
0x24: {  	[tilespmem:s4], [sflag:$0x1] =	stream.linear.gather [hbm4b:s10+s4], $0x40, $0x38;
	[tilespmem:$0x1A100] =	vst v63  }
0x25: {  	_ =	swait.ge [sflag:s21], $0x40  }
0x26: {  	[sflag:s21] =	ssyncset.done $0x0  }
0x27: {  	[sflag:s21] =	ssyncadd.s32 $0xFFFFFFC0  }
0x28: {  	[tilespmem:s25], [sflag:$0x1] =	stream.indirect.gather [hbm4b:s1+s23], $0x80, s4, s23, $0xb8;
	[tilespmem:$0x1A100] =	vst v63  }
0x29: {  	_ =	swait.ge [sflag:s21], $0x2000  }
0x2a: {  	[sflag:s21] =	ssyncset.done $0x0  }
0x2b: {  	[sflag:s21] =	ssyncadd.s32 $0xFFFFE000  }
0x2c: {  	[hbm4b:s11+s4] =	stream.linear.scatter [tilespmem:s25], [sflag:$0x1], $0x2000, $0x38;
	[tilespmem:$0x1A100] =	vst v63  }
0x2d: {  	_ =	swait.ge [sflag:s21], $0x2000  }
0x2e: {  	[sflag:s21] =	ssyncset.done $0x0  }
0x2f: {  	[sflag:s21] =	ssyncadd.s32 $0xFFFFE000  }
0x30: {  	[tilespmem:s4], [sflag:$0x1] =	stream.linear.gather [hbm4b:s12+s4], $0x40, $0x38;
	[tilespmem:$0x1A100] =	vst v63  }
0x31: {  	_ =	swait.ge [sflag:s21], $0x40  }
0x32: {  	[sflag:s21] =	ssyncset.done $0x0  }
0x33: {  	[sflag:s21] =	ssyncadd.s32 $0xFFFFFFC0  }
0x34: {  	[tilespmem:s25], [sflag:$0x1] =	stream.indirect.gather [hbm4b:s1+s23], $0x80, s4, s23, $0xb8;
	[tilespmem:$0x1A100] =	vst v63  }
0x35: {  	_ =	swait.ge [sflag:s21], $0x2000  }
0x36: {  	[sflag:s21] =	ssyncset.done $0x0  }
0x37: {  	[sflag:s21] =	ssyncadd.s32 $0xFFFFE000  }
0x38: {  	[hbm4b:s13+s4] =	stream.linear.scatter [tilespmem:s25], [sflag:$0x1], $0x2000, $0x38;
	[tilespmem:$0x1A100] =	vst v63  }
0x39: {  	_ =	swait.ge [sflag:s21], $0x2000  }
0x3a: {  	[sflag:s21] =	ssyncset.done $0x0  }
0x3b: {  	[sflag:s21] =	ssyncadd.s32 $0xFFFFE000  }
0x3c: {  	[tilespmem:s4], [sflag:$0x1] =	stream.linear.gather [hbm4b:s14+s4], $0x40, $0x38;
	[tilespmem:$0x1A100] =	vst v63  }
0x3d: {  	_ =	swait.ge [sflag:s21], $0x40  }
0x3e: {  	[sflag:s21] =	ssyncset.done $0x0  }
0x3f: {  	[sflag:s21] =	ssyncadd.s32 $0xFFFFFFC0  }
0x40: {  	[tilespmem:s25], [sflag:$0x1] =	stream.indirect.gather [hbm4b:s1+s23], $0x80, s4, s23, $0xb8;
	[tilespmem:$0x1A100] =	vst v63  }
0x41: {  	_ =	swait.ge [sflag:s21], $0x2000  }
0x42: {  	[sflag:s21] =	ssyncset.done $0x0  }
0x43: {  	[sflag:s21] =	ssyncadd.s32 $0xFFFFE000  }
0x44: {  	[hbm4b:s15+s4] =	stream.linear.scatter [tilespmem:s25], [sflag:$0x1], $0x2000, $0x38;
	[tilespmem:$0x1A100] =	vst v63  }
0x45: {  	_ =	swait.ge [sflag:s21], $0x2000  }
0x46: {  	[sflag:s21] =	ssyncset.done $0x0  }
0x47: {  	[sflag:s21] =	ssyncadd.s32 $0xFFFFE000  }
0x48: {  	[tilespmem:s4], [sflag:$0x1] =	stream.linear.gather [hbm4b:s16+s4], $0x40, $0x38;
	[tilespmem:$0x1A100] =	vst v63  }
0x49: {  	_ =	swait.ge [sflag:s21], $0x40  }
0x4a: {  	[sflag:s21] =	ssyncset.done $0x0  }
0x4b: {  	[sflag:s21] =	ssyncadd.s32 $0xFFFFFFC0  }
0x4c: {  	[tilespmem:s25], [sflag:$0x1] =	stream.indirect.gather [hbm4b:s1+s23], $0x80, s4, s23, $0xb8;
	[tilespmem:$0x1A100] =	vst v63  }
0x4d: {  	_ =	swait.ge [sflag:s21], $0x2000  }
0x4e: {  	[sflag:s21] =	ssyncset.done $0x0  }
0x4f: {  	[sflag:s21] =	ssyncadd.s32 $0xFFFFE000  }
0x50: {  	[hbm4b:s17+s4] =	stream.linear.scatter [tilespmem:s25], [sflag:$0x1], $0x2000, $0x38;
	[tilespmem:$0x1A100] =	vst v63  }
0x51: {  	_ =	swait.ge [sflag:s21], $0x2000  }
0x52: {  	[sflag:s21] =	ssyncset.done $0x0  }
0x53: {  	[sflag:s21] =	ssyncadd.s32 $0xFFFFE000  }
0x54: {  	[tilespmem:s4], [sflag:$0x1] =	stream.linear.gather [hbm4b:s18+s4], $0x40, $0x38;
	[tilespmem:$0x1A100] =	vst v63  }
0x55: {  	_ =	swait.ge [sflag:s21], $0x40  }
0x56: {  	[sflag:s21] =	ssyncset.done $0x0  }
0x57: {  	[sflag:s21] =	ssyncadd.s32 $0xFFFFFFC0  }
0x58: {  	[tilespmem:s25], [sflag:$0x1] =	stream.indirect.gather [hbm4b:s1+s23], $0x80, s4, s23, $0xb8;
	[tilespmem:$0x1A100] =	vst v63  }
0x59: {  	_ =	swait.ge [sflag:s21], $0x2000  }
0x5a: {  	[sflag:s21] =	ssyncset.done $0x0  }
0x5b: {  	[sflag:s21] =	ssyncadd.s32 $0xFFFFE000  }
0x5c: {  	[hbm4b:s19+s4] =	stream.linear.scatter [tilespmem:s25], [sflag:$0x1], $0x2000, $0x38;
	[tilespmem:$0x1A100] =	vst v63  }
0x5d: {  	_ =	swait.ge [sflag:s21], $0x2000  }
0x5e: {  	[sflag:s21] =	ssyncset.done $0x0  }
0x5f: {  	s30 =	sadd.s32 $0x0, s20;
	[sflag:s21] =	ssyncadd.s32 $0xFFFFE000  }
0x60: {  	[tilespmem:s26], [sflag:$0x1] =	stream.linear.gather [hbm4b:s30+s4], $0x80, $0x38;
	[tilespmem:$0x1A100] =	vst v63  }
0x61: {  	_ =	swait.ge [sflag:s21], $0x80  }
0x62: {  	[sflag:s21] =	ssyncset.done $0x0  }
0x63: {  	[sflag:s21] =	ssyncadd.s32 $0xFFFFFF80  }
0x64: {  	[spmem:s2] =	stream.indirect.scatter.add.f32 [tilespmem:s22], [sflag:$0x1], $0x80, s26, s25, $0xb8;
	[tilespmem:$0x1A100] =	vst v63  }
0x65: {  	_ =	swait.ge [sflag:s21], $0x4000  }
0x66: {  	s31 =	simm.s32 $0x20;
	s30 =	simm.s32 $0x10;
	[sflag:s21] =	ssyncset.done $0x0  }
.LBB2_2:
0x67: {  	s0 =	sadd.s32 s30, s20  }
0x68: {  	[sflag:s21] =	ssyncadd.s32 $0xFFFFC000;
	s30 =	smov.u32 s31;
	s3 =	sadd.s32 $0x10, s31  }
0x69: {  	[tilespmem:s26], [sflag:$0x1] =	stream.linear.gather [hbm4b:s0+s4], $0x80, $0x38;
	[tilespmem:$0x1A100] =	vst v63  }
0x6a: {  	p0 =	sne.s32 s31, $0x4E0;
	_ =	swait.ge [sflag:s21], $0x80  }
.Ltmp0:
0x6b: {  	[sflag:s21] =	ssyncset.done $0x0;
	(pc) =	sbr.rel @p0 .LBB2_2-.Ltmp0, $4  }
0x6c: {  	[sflag:s21] =	ssyncadd.s32 $0xFFFFFF80  }
0x6d: {  	[spmem:s2] =	stream.indirect.scatter.add.f32 [tilespmem:s22], [sflag:$0x1], $0x80, s26, s25, $0xb8;
	[tilespmem:$0x1A100] =	vst v63  }
0x6e: {  	_ =	swait.ge [sflag:s21], $0x4000  }
0x6f: {  	s31 =	smov.u32 s3;
	[sflag:s21] =	ssyncset.done $0x0  }
0x70: {  	s0 =	sadd.s32 s30, s20;
	[sflag:s21] =	ssyncadd.s32 $0xFFFFC000  }
0x71: {  	[tilespmem:s26], [sflag:$0x1] =	stream.linear.gather [hbm4b:s0+s4], $0x80, $0x38;
	[tilespmem:$0x1A100] =	vst v63  }
0x72: {  	_ =	swait.ge [sflag:s21], $0x80  }
0x73: {  	[sflag:s21] =	ssyncset.done $0x0  }
0x74: {  	[sflag:s21] =	ssyncadd.s32 $0xFFFFFF80  }
0x75: {  	[spmem:s2] =	stream.indirect.scatter.add.f32 [tilespmem:s22], [sflag:$0x1], $0x80, s26, s25, $0xb8;
	[tilespmem:$0x1A100] =	vst v63  }
0x76: {  	_ =	swait.ge [sflag:s21], $0x4000  }
0x77: {  	s28 =	sadd.s32 $0x1, s28;
	[sflag:s21] =	ssyncset.done $0x0  }
0x78: {  	p0 =	sne.s32 s28, s9;
	[sflag:s21] =	ssyncadd.s32 $0xFFFFC000  }
.Ltmp1:
0x79: {  	[bflag:$0x0] =	sbarrier.arrive $0xFFFF;
	(pc) =	sbr.rel @p0 .LBB2_1-.Ltmp1, $4  }
0x7a: {  	[hbm:s24], [sflag:s8] =	dma.local [spmem:s29], $0x2800  }
0x7b: {  	_ =	swait.ge [sflag:s21], $0x2800  }
0x7c: {  	[sflag:s21] =	ssyncset.done $0x0  }
0x7d: {  	[sflag:s21] =	ssyncadd.s32 $0xFFFFD800  }
0x7e: {  	_ =	sfence.sel $0x180000  }
0x7f: {  	[bflag:$0x0] =	sbarrier.arrive $0xFFFF  }
0x80: {  	_ =	strace $0x90000047  }
0x81: {  	s0 =	stileid.u32;
	[bflag:$0x2] =	sbarrier.arrive $0xFFFF  }
0x82: {  	p0 =	sne.s32 s0, $0x0;
	s0 =	rddreg [dreg:$0x4]  }
0x83: {  	s0 =	sadd.s32 @!p0 $0x100000, s0  }
0x84: {  	[sflag:s0] =	ssyncadd.tile.s32 @!p0 $0x1;
	_ =	shalt  }
.Lfunc_end2:
_tile_overlayer_lowered:
.L_overlay_start_2:
0x85: {  	(tag) =	ssettag $0x2  }
0x86: {  	s0 =	rddreg [dreg:$0x0];
	s2 =	stileid.u32  }
0x87: {  	s1 =	rddreg [dreg:$0x1];
	p0 =	sne.s32 s2, $0x0  }
0x88: {  	s3 =	rddreg [dreg:$0x2];
	[bflag:$0x3] =	sbarrier.arrive $0xFFFF;
	s2 =	simm.s32 @!p0 $0x1C01  }
0x89: {  	[timem:s3], [sflag:s2] =	dma.local @!p0 [hbm:s0], s1  }
0x8a: {  	s0 =	simm.s32 @!p0 $0x1  }
0x8b: {  	_ =	swait.ge @!p0 [sflag:s0], s1  }
0x8c: {  	s1 =	ssub.s32 @!p0 $0x0, s1;
	[sflag:s0] =	ssyncset.done @!p0 $0x0  }
0x8d: {  	[sflag:s0] =	ssyncadd.s32 @!p0 s1  }
0x8e: {  	[bflag:$0x3] =	sbarrier.arrive $0xFFFF  }
0x8f: {  	_ =	shalt  }

</sc_bundles>
